<compile_context>
chip_gen: v7x
topology: tpu7x:2x2x1
jax: 0.10.2.dev20260603
libtpu: 0.0.44.dev20260713+nightly
codegen_flags: <defaults>
</compile_context>

<pallas_src>
import jax
import jax.numpy as jnp
from jax import lax
from jax.experimental import pallas as pl
from jax.experimental.pallas import tpu as pltpu
from jax.experimental.pallas import tpu_sc as plsc

H = 32
W = 32
D = 256
B = 32
F = 2 * D
LANES = 16


def _pos_body(row_hbm, col_hbm, out_hbm, rowv, build_v, sem):
    c = lax.axis_index("c")
    s = lax.axis_index("s")
    wid = c * 16 + s

    pltpu.sync_copy(col_hbm, build_v.at[:, pl.ds(0, D)])

    pltpu.sync_copy(row_hbm.at[pl.ds(wid, 1)], rowv)

    vs = [rowv[0, pl.ds(j * LANES, LANES)] for j in range(D // LANES)]

    def st(i, carry):
        for j in range(D // LANES):
            build_v[i, pl.ds(D + j * LANES, LANES)] = vs[j]
        return carry

    lax.fori_loop(0, W, st, 0)

    copies = [
        pltpu.async_copy(
            build_v,
            out_hbm.at[lax.rem(wid + j, B), pl.ds(wid * W, W)],
            sem,
        )
        for j in range(B)
    ]
    for cp in copies:
        cp.wait()


_pos_kernel = pl.kernel(
    _pos_body,
    out_type=jax.ShapeDtypeStruct((B, H * W, F), jnp.float32),
    mesh=plsc.VectorSubcoreMesh(core_axis_name="c", subcore_axis_name="s"),
    scratch_types=[
        pltpu.VMEM((1, D), jnp.float32),
        pltpu.VMEM((W, F), jnp.float32),
        pltpu.SemaphoreType.DMA,
    ],
)


def kernel(x, row_w, col_w):
    del x
    return _pos_kernel(row_w, col_w)

# --- scband reference (transcript-rebuilt; emitter-appended) ---
"""Pipeline reference for scband-position-embedding-learned2-d-43568148251281 (READ-ONLY COPY).

The authoritative reference and input builder live on the scoring server;
editing this copy changes nothing except your own understanding.
"""

import jax, jax.numpy as jnp
import numpy as np

H = 32
W = 32
NUM_POS_FEATS = 256

def setup_inputs(seed: int = 0) -> dict:
    key = jax.random.key(seed)
    k1, k2, k3 = jax.random.split(key, 3)
    x = jax.random.normal(k1, (32, 32, 32, 768), dtype=jnp.float32)
    # nn.init.uniform_ -> U[0, 1)
    row_w = jax.random.uniform(k2, (H, NUM_POS_FEATS), dtype=jnp.float32)
    col_w = jax.random.uniform(k3, (W, NUM_POS_FEATS), dtype=jnp.float32)
    return {"x": x, "row_w": row_w, "col_w": col_w}

def reference(x, row_w, col_w):
    b = x.shape[0]
    h, w = x.shape[-3], x.shape[-2]
    i = jnp.arange(w)
    j = jnp.arange(h)
    x_emb = jnp.take(col_w, i, axis=0)  # [w, d]
    y_emb = jnp.take(row_w, j, axis=0)  # [h, d]
    x_part = jnp.tile(x_emb[None, :, :], (h, 1, 1))   # [h, w, d]
    y_part = jnp.tile(y_emb[:, None, :], (1, w, 1))   # [h, w, d]
    pos = jnp.concatenate([x_part, y_part], axis=-1)  # [h, w, 2d]
    pos = jnp.tile(pos[None], (b, 1, 1, 1))           # [b, h, w, 2d]
    pos = pos.reshape(b, h * w, pos.shape[-1])        # [b, h*w, 2d]
    return pos

if __name__ == "__main__":
    import jax
    _d = setup_inputs()
    print(jax.jit(kernel)(*tuple(_d.values())))

</pallas_src>

<mosaic_0001>
#map = affine_map<(d0, d1) -> (0, 0)>
#map1 = affine_map<(d0, d1) -> (0, 0, 0)>
module attributes {stable_mosaic.version = 14 : i64} {
  func.func @_pos_body(%arg0: i32, %arg1: i32, %arg2: memref<32x256xf32, #tpu.memory_space<hbm>>, %arg3: memref<32x256xf32, #tpu.memory_space<hbm>>, %arg4: memref<32x1024x512xf32, #tpu.memory_space<hbm>>, %arg5: memref<1x256xf32, #tpu.memory_space<vmem>>, %arg6: memref<32x512xf32, #tpu.memory_space<vmem>>, %arg7: memref<!tpu.dma_semaphore, #tpu.memory_space<semaphore_mem>>) attributes {dimension_semantics = [#tpu.dimension_semantics<core_parallel>, #tpu.dimension_semantics<subcore_parallel>], iteration_bounds = array<i64: 2, 16>, scalar_prefetch = 0 : i64, scratch_operands = 3 : i64, tpu.core_type = #tpu.core_type<sc_vector_subcore>, window_params = [{transform_indices = #map}, {transform_indices = #map}, {transform_indices = #map1}]} {
    %mul3A = arith.constant 16 : i32
    %mul3A_0 = arith.muli %arg0, %mul3A : i32
    %add3A = arith.addi %mul3A_0, %arg1 : i32
    "tpu.region"() ({
      %run_scoped3A = tpu.sem_alloc : memref<!tpu.dma_semaphore, #tpu.memory_space<semaphore_mem>>
      %dma_start3A_658 = arith.constant 0 : i32
      %dma_start3A_659 = arith.constant 0 : i32
      %dma_start3A_660 = tpu.memref_slice %arg6[%dma_start3A_658, %dma_start3A_659] : memref<32x512xf32, #tpu.memory_space<vmem>> -> memref<32x256xf32, #tpu.memory_space<vmem>>
      %dma_start3A_661 = arith.constant 0 : i32
      %dma_start3A_662 = arith.constant 0 : i32
      %dma_start3A_663 = tpu.memref_slice %arg6[%dma_start3A_661, %dma_start3A_662] : memref<32x512xf32, #tpu.memory_space<vmem>> -> memref<32x256xf32, #tpu.memory_space<vmem>>
      tpu.enqueue_dma source(%arg3 : memref<32x256xf32, #tpu.memory_space<hbm>>) target(%dma_start3A_663 : memref<32x256xf32, #tpu.memory_space<vmem>>) target_semaphore(%run_scoped3A : memref<!tpu.dma_semaphore, #tpu.memory_space<semaphore_mem>>)
      %dma_wait3A_664 = arith.constant 0 : i32
      %dma_wait3A_665 = arith.constant 0 : i32
      %dma_wait3A_666 = tpu.memref_slice %arg6[%dma_wait3A_664, %dma_wait3A_665] : memref<32x512xf32, #tpu.memory_space<vmem>> -> memref<32x256xf32, #tpu.memory_space<vmem>>
      %dma_wait3A_667 = arith.constant 0 : i32
      %dma_wait3A_668 = arith.constant 0 : i32
      %dma_wait3A_669 = tpu.memref_slice %arg6[%dma_wait3A_667, %dma_wait3A_668] : memref<32x512xf32, #tpu.memory_space<vmem>> -> memref<32x256xf32, #tpu.memory_space<vmem>>
      tpu.wait_dma2 semaphore(%run_scoped3A : memref<!tpu.dma_semaphore, #tpu.memory_space<semaphore_mem>>) src(%arg3 : memref<32x256xf32, #tpu.memory_space<hbm>>) dst(%dma_wait3A_669 : memref<32x256xf32, #tpu.memory_space<vmem>>)
      tpu.yield
    }) : () -> ()
    "tpu.region"() ({
      %run_scoped3A = tpu.sem_alloc : memref<!tpu.dma_semaphore, #tpu.memory_space<semaphore_mem>>
      %dma_start3A_658 = arith.constant 0 : i32
      %dma_start3A_659 = tpu.memref_slice %arg2[%add3A, %dma_start3A_658] : memref<32x256xf32, #tpu.memory_space<hbm>> -> memref<1x256xf32, #tpu.memory_space<hbm>>
      %dma_start3A_660 = arith.constant 0 : i32
      %dma_start3A_661 = tpu.memref_slice %arg2[%add3A, %dma_start3A_660] : memref<32x256xf32, #tpu.memory_space<hbm>> -> memref<1x256xf32, #tpu.memory_space<hbm>>
      tpu.enqueue_dma source(%dma_start3A_661 : memref<1x256xf32, #tpu.memory_space<hbm>>) target(%arg5 : memref<1x256xf32, #tpu.memory_space<vmem>>) target_semaphore(%run_scoped3A : memref<!tpu.dma_semaphore, #tpu.memory_space<semaphore_mem>>)
      %dma_wait3A_662 = arith.constant 0 : i32
      %dma_wait3A_663 = tpu.memref_slice %arg2[%add3A, %dma_wait3A_662] : memref<32x256xf32, #tpu.memory_space<hbm>> -> memref<1x256xf32, #tpu.memory_space<hbm>>
      %dma_wait3A_664 = arith.constant 0 : i32
      %dma_wait3A_665 = tpu.memref_slice %arg2[%add3A, %dma_wait3A_664] : memref<32x256xf32, #tpu.memory_space<hbm>> -> memref<1x256xf32, #tpu.memory_space<hbm>>
      tpu.wait_dma2 semaphore(%run_scoped3A : memref<!tpu.dma_semaphore, #tpu.memory_space<semaphore_mem>>) src(%dma_wait3A_665 : memref<1x256xf32, #tpu.memory_space<hbm>>) dst(%arg5 : memref<1x256xf32, #tpu.memory_space<vmem>>)
      tpu.yield
    }) : () -> ()
    %get3A = arith.constant 0 : i32
    %get3A_1 = arith.index_cast %get3A : i32 to index
    %get3A_2 = arith.constant 0 : index
    %get3A_3 = tpu.vector_load %arg5[%get3A_1, %get3A_2] {strides = array<i32>} : memref<1x256xf32, #tpu.memory_space<vmem>>, vector<1x16xf32>,
    %get3A_4 = vector.shape_cast %get3A_3 : vector<1x16xf32> to vector<16xf32>
    %get3A_5 = arith.constant 0 : i32
    %get3A_6 = arith.index_cast %get3A_5 : i32 to index
    %get3A_7 = arith.constant 16 : index
    %get3A_8 = tpu.vector_load %arg5[%get3A_6, %get3A_7] {strides = array<i32>} : memref<1x256xf32, #tpu.memory_space<vmem>>, vector<1x16xf32>,
    %get3A_9 = vector.shape_cast %get3A_8 : vector<1x16xf32> to vector<16xf32>
    %get3A_10 = arith.constant 0 : i32
    %get3A_11 = arith.index_cast %get3A_10 : i32 to index
    %get3A_12 = arith.constant 32 : index
    %get3A_13 = tpu.vector_load %arg5[%get3A_11, %get3A_12] {strides = array<i32>} : memref<1x256xf32, #tpu.memory_space<vmem>>, vector<1x16xf32>,
    %get3A_14 = vector.shape_cast %get3A_13 : vector<1x16xf32> to vector<16xf32>
    %get3A_15 = arith.constant 0 : i32
    %get3A_16 = arith.index_cast %get3A_15 : i32 to index
    %get3A_17 = arith.constant 48 : index
    %get3A_18 = tpu.vector_load %arg5[%get3A_16, %get3A_17] {strides = array<i32>} : memref<1x256xf32, #tpu.memory_space<vmem>>, vector<1x16xf32>,
    %get3A_19 = vector.shape_cast %get3A_18 : vector<1x16xf32> to vector<16xf32>
    %get3A_20 = arith.constant 0 : i32
    %get3A_21 = arith.index_cast %get3A_20 : i32 to index
    %get3A_22 = arith.constant 64 : index
    %get3A_23 = tpu.vector_load %arg5[%get3A_21, %get3A_22] {strides = array<i32>} : memref<1x256xf32, #tpu.memory_space<vmem>>, vector<1x16xf32>,
    %get3A_24 = vector.shape_cast %get3A_23 : vector<1x16xf32> to vector<16xf32>
    %get3A_25 = arith.constant 0 : i32
    %get3A_26 = arith.index_cast %get3A_25 : i32 to index
    %get3A_27 = arith.constant 80 : index
    %get3A_28 = tpu.vector_load %arg5[%get3A_26, %get3A_27] {strides = array<i32>} : memref<1x256xf32, #tpu.memory_space<vmem>>, vector<1x16xf32>,
    %get3A_29 = vector.shape_cast %get3A_28 : vector<1x16xf32> to vector<16xf32>
    %get3A_30 = arith.constant 0 : i32
    %get3A_31 = arith.index_cast %get3A_30 : i32 to index
    %get3A_32 = arith.constant 96 : index
    %get3A_33 = tpu.vector_load %arg5[%get3A_31, %get3A_32] {strides = array<i32>} : memref<1x256xf32, #tpu.memory_space<vmem>>, vector<1x16xf32>,
    %get3A_34 = vector.shape_cast %get3A_33 : vector<1x16xf32> to vector<16xf32>
    %get3A_35 = arith.constant 0 : i32
    %get3A_36 = arith.index_cast %get3A_35 : i32 to index
    %get3A_37 = arith.constant 112 : index
    %get3A_38 = tpu.vector_load %arg5[%get3A_36, %get3A_37] {strides = array<i32>} : memref<1x256xf32, #tpu.memory_space<vmem>>, vector<1x16xf32>,
    %get3A_39 = vector.shape_cast %get3A_38 : vector<1x16xf32> to vector<16xf32>
    %get3A_40 = arith.constant 0 : i32
    %get3A_41 = arith.index_cast %get3A_40 : i32 to index
    %get3A_42 = arith.constant 128 : index
    %get3A_43 = tpu.vector_load %arg5[%get3A_41, %get3A_42] {strides = array<i32>} : memref<1x256xf32, #tpu.memory_space<vmem>>, vector<1x16xf32>,
    %get3A_44 = vector.shape_cast %get3A_43 : vector<1x16xf32> to vector<16xf32>
    %get3A_45 = arith.constant 0 : i32
    %get3A_46 = arith.index_cast %get3A_45 : i32 to index
    %get3A_47 = arith.constant 144 : index
    %get3A_48 = tpu.vector_load %arg5[%get3A_46, %get3A_47] {strides = array<i32>} : memref<1x256xf32, #tpu.memory_space<vmem>>, vector<1x16xf32>,
    %get3A_49 = vector.shape_cast %get3A_48 : vector<1x16xf32> to vector<16xf32>
    %get3A_50 = arith.constant 0 : i32
    %get3A_51 = arith.index_cast %get3A_50 : i32 to index
    %get3A_52 = arith.constant 160 : index
    %get3A_53 = tpu.vector_load %arg5[%get3A_51, %get3A_52] {strides = array<i32>} : memref<1x256xf32, #tpu.memory_space<vmem>>, vector<1x16xf32>,
    %get3A_54 = vector.shape_cast %get3A_53 : vector<1x16xf32> to vector<16xf32>
    %get3A_55 = arith.constant 0 : i32
    %get3A_56 = arith.index_cast %get3A_55 : i32 to index
    %get3A_57 = arith.constant 176 : index
    %get3A_58 = tpu.vector_load %arg5[%get3A_56, %get3A_57] {strides = array<i32>} : memref<1x256xf32, #tpu.memory_space<vmem>>, vector<1x16xf32>,
    %get3A_59 = vector.shape_cast %get3A_58 : vector<1x16xf32> to vector<16xf32>
    %get3A_60 = arith.constant 0 : i32
    %get3A_61 = arith.index_cast %get3A_60 : i32 to index
    %get3A_62 = arith.constant 192 : index
    %get3A_63 = tpu.vector_load %arg5[%get3A_61, %get3A_62] {strides = array<i32>} : memref<1x256xf32, #tpu.memory_space<vmem>>, vector<1x16xf32>,
    %get3A_64 = vector.shape_cast %get3A_63 : vector<1x16xf32> to vector<16xf32>
    %get3A_65 = arith.constant 0 : i32
    %get3A_66 = arith.index_cast %get3A_65 : i32 to index
    %get3A_67 = arith.constant 208 : index
    %get3A_68 = tpu.vector_load %arg5[%get3A_66, %get3A_67] {strides = array<i32>} : memref<1x256xf32, #tpu.memory_space<vmem>>, vector<1x16xf32>,
    %get3A_69 = vector.shape_cast %get3A_68 : vector<1x16xf32> to vector<16xf32>
    %get3A_70 = arith.constant 0 : i32
    %get3A_71 = arith.index_cast %get3A_70 : i32 to index
    %get3A_72 = arith.constant 224 : index
    %get3A_73 = tpu.vector_load %arg5[%get3A_71, %get3A_72] {strides = array<i32>} : memref<1x256xf32, #tpu.memory_space<vmem>>, vector<1x16xf32>,
    %get3A_74 = vector.shape_cast %get3A_73 : vector<1x16xf32> to vector<16xf32>
    %get3A_75 = arith.constant 0 : i32
    %get3A_76 = arith.index_cast %get3A_75 : i32 to index
    %get3A_77 = arith.constant 240 : index
    %get3A_78 = tpu.vector_load %arg5[%get3A_76, %get3A_77] {strides = array<i32>} : memref<1x256xf32, #tpu.memory_space<vmem>>, vector<1x16xf32>,
    %get3A_79 = vector.shape_cast %get3A_78 : vector<1x16xf32> to vector<16xf32>
    %scan3A = arith.constant 0 : i32
    %scan3A_80 = arith.constant 0 : i32
    %scan3A_81 = arith.constant 32 : i32
    %scan3A_82 = arith.addi %scan3A_80, %scan3A_81 : i32
    %scan3A_83 = arith.constant 1 : i32
    scf.for %scan3A_658 = %scan3A_80 to %scan3A_82 step %scan3A_83  : i32 {
      %swap3A = arith.index_cast %scan3A_658 : i32 to index
      %swap3A_659 = arith.constant 256 : index
      %swap3A_660 = tpu.vector_load %arg6[%swap3A, %swap3A_659] {strides = array<i32>} : memref<32x512xf32, #tpu.memory_space<vmem>>, vector<1x16xf32>,
      %swap3A_661 = vector.shape_cast %swap3A_660 : vector<1x16xf32> to vector<16xf32>
      %swap3A_662 = vector.shape_cast %get3A_4 : vector<16xf32> to vector<1x16xf32>
      tpu.vector_store %arg6[%swap3A, %swap3A_659], %swap3A_662 {strides = array<i32>} : memref<32x512xf32, #tpu.memory_space<vmem>>, vector<1x16xf32>,
      %swap3A_663 = arith.index_cast %scan3A_658 : i32 to index
      %swap3A_664 = arith.constant 272 : index
      %swap3A_665 = tpu.vector_load %arg6[%swap3A_663, %swap3A_664] {strides = array<i32>} : memref<32x512xf32, #tpu.memory_space<vmem>>, vector<1x16xf32>,
      %swap3A_666 = vector.shape_cast %swap3A_665 : vector<1x16xf32> to vector<16xf32>
      %swap3A_667 = vector.shape_cast %get3A_9 : vector<16xf32> to vector<1x16xf32>
      tpu.vector_store %arg6[%swap3A_663, %swap3A_664], %swap3A_667 {strides = array<i32>} : memref<32x512xf32, #tpu.memory_space<vmem>>, vector<1x16xf32>,
      %swap3A_668 = arith.index_cast %scan3A_658 : i32 to index
      %swap3A_669 = arith.constant 288 : index
      %swap3A_670 = tpu.vector_load %arg6[%swap3A_668, %swap3A_669] {strides = array<i32>} : memref<32x512xf32, #tpu.memory_space<vmem>>, vector<1x16xf32>,
      %swap3A_671 = vector.shape_cast %swap3A_670 : vector<1x16xf32> to vector<16xf32>
      %swap3A_672 = vector.shape_cast %get3A_14 : vector<16xf32> to vector<1x16xf32>
      tpu.vector_store %arg6[%swap3A_668, %swap3A_669], %swap3A_672 {strides = array<i32>} : memref<32x512xf32, #tpu.memory_space<vmem>>, vector<1x16xf32>,
      %swap3A_673 = arith.index_cast %scan3A_658 : i32 to index
      %swap3A_674 = arith.constant 304 : index
      %swap3A_675 = tpu.vector_load %arg6[%swap3A_673, %swap3A_674] {strides = array<i32>} : memref<32x512xf32, #tpu.memory_space<vmem>>, vector<1x16xf32>,
      %swap3A_676 = vector.shape_cast %swap3A_675 : vector<1x16xf32> to vector<16xf32>
      %swap3A_677 = vector.shape_cast %get3A_19 : vector<16xf32> to vector<1x16xf32>
      tpu.vector_store %arg6[%swap3A_673, %swap3A_674], %swap3A_677 {strides = array<i32>} : memref<32x512xf32, #tpu.memory_space<vmem>>, vector<1x16xf32>,
      %swap3A_678 = arith.index_cast %scan3A_658 : i32 to index
      %swap3A_679 = arith.constant 320 : index
      %swap3A_680 = tpu.vector_load %arg6[%swap3A_678, %swap3A_679] {strides = array<i32>} : memref<32x512xf32, #tpu.memory_space<vmem>>, vector<1x16xf32>,
      %swap3A_681 = vector.shape_cast %swap3A_680 : vector<1x16xf32> to vector<16xf32>
      %swap3A_682 = vector.shape_cast %get3A_24 : vector<16xf32> to vector<1x16xf32>
      tpu.vector_store %arg6[%swap3A_678, %swap3A_679], %swap3A_682 {strides = array<i32>} : memref<32x512xf32, #tpu.memory_space<vmem>>, vector<1x16xf32>,
      %swap3A_683 = arith.index_cast %scan3A_658 : i32 to index
      %swap3A_684 = arith.constant 336 : index
      %swap3A_685 = tpu.vector_load %arg6[%swap3A_683, %swap3A_684] {strides = array<i32>} : memref<32x512xf32, #tpu.memory_space<vmem>>, vector<1x16xf32>,
      %swap3A_686 = vector.shape_cast %swap3A_685 : vector<1x16xf32> to vector<16xf32>
      %swap3A_687 = vector.shape_cast %get3A_29 : vector<16xf32> to vector<1x16xf32>
      tpu.vector_store %arg6[%swap3A_683, %swap3A_684], %swap3A_687 {strides = array<i32>} : memref<32x512xf32, #tpu.memory_space<vmem>>, vector<1x16xf32>,
      %swap3A_688 = arith.index_cast %scan3A_658 : i32 to index
      %swap3A_689 = arith.constant 352 : index
      %swap3A_690 = tpu.vector_load %arg6[%swap3A_688, %swap3A_689] {strides = array<i32>} : memref<32x512xf32, #tpu.memory_space<vmem>>, vector<1x16xf32>,
      %swap3A_691 = vector.shape_cast %swap3A_690 : vector<1x16xf32> to vector<16xf32>
      %swap3A_692 = vector.shape_cast %get3A_34 : vector<16xf32> to vector<1x16xf32>
      tpu.vector_store %arg6[%swap3A_688, %swap3A_689], %swap3A_692 {strides = array<i32>} : memref<32x512xf32, #tpu.memory_space<vmem>>, vector<1x16xf32>,
      %swap3A_693 = arith.index_cast %scan3A_658 : i32 to index
      %swap3A_694 = arith.constant 368 : index
      %swap3A_695 = tpu.vector_load %arg6[%swap3A_693, %swap3A_694] {strides = array<i32>} : memref<32x512xf32, #tpu.memory_space<vmem>>, vector<1x16xf32>,
      %swap3A_696 = vector.shape_cast %swap3A_695 : vector<1x16xf32> to vector<16xf32>
      %swap3A_697 = vector.shape_cast %get3A_39 : vector<16xf32> to vector<1x16xf32>
      tpu.vector_store %arg6[%swap3A_693, %swap3A_694], %swap3A_697 {strides = array<i32>} : memref<32x512xf32, #tpu.memory_space<vmem>>, vector<1x16xf32>,
      %swap3A_698 = arith.index_cast %scan3A_658 : i32 to index
      %swap3A_699 = arith.constant 384 : index
      %swap3A_700 = tpu.vector_load %arg6[%swap3A_698, %swap3A_699] {strides = array<i32>} : memref<32x512xf32, #tpu.memory_space<vmem>>, vector<1x16xf32>,
      %swap3A_701 = vector.shape_cast %swap3A_700 : vector<1x16xf32> to vector<16xf32>
      %swap3A_702 = vector.shape_cast %get3A_44 : vector<16xf32> to vector<1x16xf32>
      tpu.vector_store %arg6[%swap3A_698, %swap3A_699], %swap3A_702 {strides = array<i32>} : memref<32x512xf32, #tpu.memory_space<vmem>>, vector<1x16xf32>,
      %swap3A_703 = arith.index_cast %scan3A_658 : i32 to index
      %swap3A_704 = arith.constant 400 : index
      %swap3A_705 = tpu.vector_load %arg6[%swap3A_703, %swap3A_704] {strides = array<i32>} : memref<32x512xf32, #tpu.memory_space<vmem>>, vector<1x16xf32>,
      %swap3A_706 = vector.shape_cast %swap3A_705 : vector<1x16xf32> to vector<16xf32>
      %swap3A_707 = vector.shape_cast %get3A_49 : vector<16xf32> to vector<1x16xf32>
      tpu.vector_store %arg6[%swap3A_703, %swap3A_704], %swap3A_707 {strides = array<i32>} : memref<32x512xf32, #tpu.memory_space<vmem>>, vector<1x16xf32>,
      %swap3A_708 = arith.index_cast %scan3A_658 : i32 to index
      %swap3A_709 = arith.constant 416 : index
      %swap3A_710 = tpu.vector_load %arg6[%swap3A_708, %swap3A_709] {strides = array<i32>} : memref<32x512xf32, #tpu.memory_space<vmem>>, vector<1x16xf32>,
      %swap3A_711 = vector.shape_cast %swap3A_710 : vector<1x16xf32> to vector<16xf32>
      %swap3A_712 = vector.shape_cast %get3A_54 : vector<16xf32> to vector<1x16xf32>
      tpu.vector_store %arg6[%swap3A_708, %swap3A_709], %swap3A_712 {strides = array<i32>} : memref<32x512xf32, #tpu.memory_space<vmem>>, vector<1x16xf32>,
      %swap3A_713 = arith.index_cast %scan3A_658 : i32 to index
      %swap3A_714 = arith.constant 432 : index
      %swap3A_715 = tpu.vector_load %arg6[%swap3A_713, %swap3A_714] {strides = array<i32>} : memref<32x512xf32, #tpu.memory_space<vmem>>, vector<1x16xf32>,
      %swap3A_716 = vector.shape_cast %swap3A_715 : vector<1x16xf32> to vector<16xf32>
      %swap3A_717 = vector.shape_cast %get3A_59 : vector<16xf32> to vector<1x16xf32>
      tpu.vector_store %arg6[%swap3A_713, %swap3A_714], %swap3A_717 {strides = array<i32>} : memref<32x512xf32, #tpu.memory_space<vmem>>, vector<1x16xf32>,
      %swap3A_718 = arith.index_cast %scan3A_658 : i32 to index
      %swap3A_719 = arith.constant 448 : index
      %swap3A_720 = tpu.vector_load %arg6[%swap3A_718, %swap3A_719] {strides = array<i32>} : memref<32x512xf32, #tpu.memory_space<vmem>>, vector<1x16xf32>,
      %swap3A_721 = vector.shape_cast %swap3A_720 : vector<1x16xf32> to vector<16xf32>
      %swap3A_722 = vector.shape_cast %get3A_64 : vector<16xf32> to vector<1x16xf32>
      tpu.vector_store %arg6[%swap3A_718, %swap3A_719], %swap3A_722 {strides = array<i32>} : memref<32x512xf32, #tpu.memory_space<vmem>>, vector<1x16xf32>,
      %swap3A_723 = arith.index_cast %scan3A_658 : i32 to index
      %swap3A_724 = arith.constant 464 : index
      %swap3A_725 = tpu.vector_load %arg6[%swap3A_723, %swap3A_724] {strides = array<i32>} : memref<32x512xf32, #tpu.memory_space<vmem>>, vector<1x16xf32>,
      %swap3A_726 = vector.shape_cast %swap3A_725 : vector<1x16xf32> to vector<16xf32>
      %swap3A_727 = vector.shape_cast %get3A_69 : vector<16xf32> to vector<1x16xf32>
      tpu.vector_store %arg6[%swap3A_723, %swap3A_724], %swap3A_727 {strides = array<i32>} : memref<32x512xf32, #tpu.memory_space<vmem>>, vector<1x16xf32>,
      %swap3A_728 = arith.index_cast %scan3A_658 : i32 to index
      %swap3A_729 = arith.constant 480 : index
      %swap3A_730 = tpu.vector_load %arg6[%swap3A_728, %swap3A_729] {strides = array<i32>} : memref<32x512xf32, #tpu.memory_space<vmem>>, vector<1x16xf32>,
      %swap3A_731 = vector.shape_cast %swap3A_730 : vector<1x16xf32> to vector<16xf32>
      %swap3A_732 = vector.shape_cast %get3A_74 : vector<16xf32> to vector<1x16xf32>
      tpu.vector_store %arg6[%swap3A_728, %swap3A_729], %swap3A_732 {strides = array<i32>} : memref<32x512xf32, #tpu.memory_space<vmem>>, vector<1x16xf32>,
      %swap3A_733 = arith.index_cast %scan3A_658 : i32 to index
      %swap3A_734 = arith.constant 496 : index
      %swap3A_735 = tpu.vector_load %arg6[%swap3A_733, %swap3A_734] {strides = array<i32>} : memref<32x512xf32, #tpu.memory_space<vmem>>, vector<1x16xf32>,
      %swap3A_736 = vector.shape_cast %swap3A_735 : vector<1x16xf32> to vector<16xf32>
      %swap3A_737 = vector.shape_cast %get3A_79 : vector<16xf32> to vector<1x16xf32>
      tpu.vector_store %arg6[%swap3A_733, %swap3A_734], %swap3A_737 {strides = array<i32>} : memref<32x512xf32, #tpu.memory_space<vmem>>, vector<1x16xf32>,
    }
    %scan3A_84 = arith.constant 32 : i32
    %add3A_85 = arith.constant 0 : i32
    %add3A_86 = arith.addi %add3A, %add3A_85 : i32
    %rem3A = arith.constant 32 : i32
    %rem3A_87 = arith.remsi %add3A_86, %rem3A : i32
    %mul3A_88 = arith.constant 32 : i32
    %mul3A_89 = arith.muli %add3A, %mul3A_88 : i32
    %dma_start3A = arith.constant 0 : i32
    %dma_start3A_90 = tpu.memref_slice %arg4[%rem3A_87, %mul3A_89, %dma_start3A] : memref<32x1024x512xf32, #tpu.memory_space<hbm>> -> memref<1x32x512xf32, #tpu.memory_space<hbm>>
    %dma_start3A_91 = tpu.memref_squeeze %dma_start3A_90 : memref<1x32x512xf32, #tpu.memory_space<hbm>> -> memref<32x512xf32, #tpu.memory_space<hbm>>
    %dma_start3A_92 = arith.constant 0 : i32
    %dma_start3A_93 = tpu.memref_slice %arg4[%rem3A_87, %mul3A_89, %dma_start3A_92] : memref<32x1024x512xf32, #tpu.memory_space<hbm>> -> memref<1x32x512xf32, #tpu.memory_space<hbm>>
    %dma_start3A_94 = tpu.memref_squeeze %dma_start3A_93 : memref<1x32x512xf32, #tpu.memory_space<hbm>> -> memref<32x512xf32, #tpu.memory_space<hbm>>
    tpu.enqueue_dma source(%arg6 : memref<32x512xf32, #tpu.memory_space<vmem>>) target(%dma_start3A_94 : memref<32x512xf32, #tpu.memory_space<hbm>>) target_semaphore(%arg7 : memref<!tpu.dma_semaphore, #tpu.memory_space<semaphore_mem>>)
    %add3A_95 = arith.constant 1 : i32
    %add3A_96 = arith.addi %add3A, %add3A_95 : i32
    %rem3A_97 = arith.constant 32 : i32
    %rem3A_98 = arith.remsi %add3A_96, %rem3A_97 : i32
    %mul3A_99 = arith.constant 32 : i32
    %mul3A_100 = arith.muli %add3A, %mul3A_99 : i32
    %dma_start3A_101 = arith.constant 0 : i32
    %dma_start3A_102 = tpu.memref_slice %arg4[%rem3A_98, %mul3A_100, %dma_start3A_101] : memref<32x1024x512xf32, #tpu.memory_space<hbm>> -> memref<1x32x512xf32, #tpu.memory_space<hbm>>
    %dma_start3A_103 = tpu.memref_squeeze %dma_start3A_102 : memref<1x32x512xf32, #tpu.memory_space<hbm>> -> memref<32x512xf32, #tpu.memory_space<hbm>>
    %dma_start3A_104 = arith.constant 0 : i32
    %dma_start3A_105 = tpu.memref_slice %arg4[%rem3A_98, %mul3A_100, %dma_start3A_104] : memref<32x1024x512xf32, #tpu.memory_space<hbm>> -> memref<1x32x512xf32, #tpu.memory_space<hbm>>
    %dma_start3A_106 = tpu.memref_squeeze %dma_start3A_105 : memref<1x32x512xf32, #tpu.memory_space<hbm>> -> memref<32x512xf32, #tpu.memory_space<hbm>>
    tpu.enqueue_dma source(%arg6 : memref<32x512xf32, #tpu.memory_space<vmem>>) target(%dma_start3A_106 : memref<32x512xf32, #tpu.memory_space<hbm>>) target_semaphore(%arg7 : memref<!tpu.dma_semaphore, #tpu.memory_space<semaphore_mem>>)
    %add3A_107 = arith.constant 2 : i32
    %add3A_108 = arith.addi %add3A, %add3A_107 : i32
    %rem3A_109 = arith.constant 32 : i32
    %rem3A_110 = arith.remsi %add3A_108, %rem3A_109 : i32
    %mul3A_111 = arith.constant 32 : i32
    %mul3A_112 = arith.muli %add3A, %mul3A_111 : i32
    %dma_start3A_113 = arith.constant 0 : i32
    %dma_start3A_114 = tpu.memref_slice %arg4[%rem3A_110, %mul3A_112, %dma_start3A_113] : memref<32x1024x512xf32, #tpu.memory_space<hbm>> -> memref<1x32x512xf32, #tpu.memory_space<hbm>>
    %dma_start3A_115 = tpu.memref_squeeze %dma_start3A_114 : memref<1x32x512xf32, #tpu.memory_space<hbm>> -> memref<32x512xf32, #tpu.memory_space<hbm>>
    %dma_start3A_116 = arith.constant 0 : i32
    %dma_start3A_117 = tpu.memref_slice %arg4[%rem3A_110, %mul3A_112, %dma_start3A_116] : memref<32x1024x512xf32, #tpu.memory_space<hbm>> -> memref<1x32x512xf32, #tpu.memory_space<hbm>>
    %dma_start3A_118 = tpu.memref_squeeze %dma_start3A_117 : memref<1x32x512xf32, #tpu.memory_space<hbm>> -> memref<32x512xf32, #tpu.memory_space<hbm>>
    tpu.enqueue_dma source(%arg6 : memref<32x512xf32, #tpu.memory_space<vmem>>) target(%dma_start3A_118 : memref<32x512xf32, #tpu.memory_space<hbm>>) target_semaphore(%arg7 : memref<!tpu.dma_semaphore, #tpu.memory_space<semaphore_mem>>)
    %add3A_119 = arith.constant 3 : i32
    %add3A_120 = arith.addi %add3A, %add3A_119 : i32
    %rem3A_121 = arith.constant 32 : i32
    %rem3A_122 = arith.remsi %add3A_120, %rem3A_121 : i32
    %mul3A_123 = arith.constant 32 : i32
    %mul3A_124 = arith.muli %add3A, %mul3A_123 : i32
    %dma_start3A_125 = arith.constant 0 : i32
    %dma_start3A_126 = tpu.memref_slice %arg4[%rem3A_122, %mul3A_124, %dma_start3A_125] : memref<32x1024x512xf32, #tpu.memory_space<hbm>> -> memref<1x32x512xf32, #tpu.memory_space<hbm>>
    %dma_start3A_127 = tpu.memref_squeeze %dma_start3A_126 : memref<1x32x512xf32, #tpu.memory_space<hbm>> -> memref<32x512xf32, #tpu.memory_space<hbm>>
    %dma_start3A_128 = arith.constant 0 : i32
    %dma_start3A_129 = tpu.memref_slice %arg4[%rem3A_122, %mul3A_124, %dma_start3A_128] : memref<32x1024x512xf32, #tpu.memory_space<hbm>> -> memref<1x32x512xf32, #tpu.memory_space<hbm>>
    %dma_start3A_130 = tpu.memref_squeeze %dma_start3A_129 : memref<1x32x512xf32, #tpu.memory_space<hbm>> -> memref<32x512xf32, #tpu.memory_space<hbm>>
    tpu.enqueue_dma source(%arg6 : memref<32x512xf32, #tpu.memory_space<vmem>>) target(%dma_start3A_130 : memref<32x512xf32, #tpu.memory_space<hbm>>) target_semaphore(%arg7 : memref<!tpu.dma_semaphore, #tpu.memory_space<semaphore_mem>>)
    %add3A_131 = arith.constant 4 : i32
    %add3A_132 = arith.addi %add3A, %add3A_131 : i32
    %rem3A_133 = arith.constant 32 : i32
    %rem3A_134 = arith.remsi %add3A_132, %rem3A_133 : i32
    %mul3A_135 = arith.constant 32 : i32
    %mul3A_136 = arith.muli %add3A, %mul3A_135 : i32
    %dma_start3A_137 = arith.constant 0 : i32
    %dma_start3A_138 = tpu.memref_slice %arg4[%rem3A_134, %mul3A_136, %dma_start3A_137] : memref<32x1024x512xf32, #tpu.memory_space<hbm>> -> memref<1x32x512xf32, #tpu.memory_space<hbm>>
    %dma_start3A_139 = tpu.memref_squeeze %dma_start3A_138 : memref<1x32x512xf32, #tpu.memory_space<hbm>> -> memref<32x512xf32, #tpu.memory_space<hbm>>
    %dma_start3A_140 = arith.constant 0 : i32
    %dma_start3A_141 = tpu.memref_slice %arg4[%rem3A_134, %mul3A_136, %dma_start3A_140] : memref<32x1024x512xf32, #tpu.memory_space<hbm>> -> memref<1x32x512xf32, #tpu.memory_space<hbm>>
    %dma_start3A_142 = tpu.memref_squeeze %dma_start3A_141 : memref<1x32x512xf32, #tpu.memory_space<hbm>> -> memref<32x512xf32, #tpu.memory_space<hbm>>
    tpu.enqueue_dma source(%arg6 : memref<32x512xf32, #tpu.memory_space<vmem>>) target(%dma_start3A_142 : memref<32x512xf32, #tpu.memory_space<hbm>>) target_semaphore(%arg7 : memref<!tpu.dma_semaphore, #tpu.memory_space<semaphore_mem>>)
    %add3A_143 = arith.constant 5 : i32
    %add3A_144 = arith.addi %add3A, %add3A_143 : i32
    %rem3A_145 = arith.constant 32 : i32
    %rem3A_146 = arith.remsi %add3A_144, %rem3A_145 : i32
    %mul3A_147 = arith.constant 32 : i32
    %mul3A_148 = arith.muli %add3A, %mul3A_147 : i32
    %dma_start3A_149 = arith.constant 0 : i32
    %dma_start3A_150 = tpu.memref_slice %arg4[%rem3A_146, %mul3A_148, %dma_start3A_149] : memref<32x1024x512xf32, #tpu.memory_space<hbm>> -> memref<1x32x512xf32, #tpu.memory_space<hbm>>
    %dma_start3A_151 = tpu.memref_squeeze %dma_start3A_150 : memref<1x32x512xf32, #tpu.memory_space<hbm>> -> memref<32x512xf32, #tpu.memory_space<hbm>>
    %dma_start3A_152 = arith.constant 0 : i32
    %dma_start3A_153 = tpu.memref_slice %arg4[%rem3A_146, %mul3A_148, %dma_start3A_152] : memref<32x1024x512xf32, #tpu.memory_space<hbm>> -> memref<1x32x512xf32, #tpu.memory_space<hbm>>
    %dma_start3A_154 = tpu.memref_squeeze %dma_start3A_153 : memref<1x32x512xf32, #tpu.memory_space<hbm>> -> memref<32x512xf32, #tpu.memory_space<hbm>>
    tpu.enqueue_dma source(%arg6 : memref<32x512xf32, #tpu.memory_space<vmem>>) target(%dma_start3A_154 : memref<32x512xf32, #tpu.memory_space<hbm>>) target_semaphore(%arg7 : memref<!tpu.dma_semaphore, #tpu.memory_space<semaphore_mem>>)
    %add3A_155 = arith.constant 6 : i32
    %add3A_156 = arith.addi %add3A, %add3A_155 : i32
    %rem3A_157 = arith.constant 32 : i32
    %rem3A_158 = arith.remsi %add3A_156, %rem3A_157 : i32
    %mul3A_159 = arith.constant 32 : i32
    %mul3A_160 = arith.muli %add3A, %mul3A_159 : i32
    %dma_start3A_161 = arith.constant 0 : i32
    %dma_start3A_162 = tpu.memref_slice %arg4[%rem3A_158, %mul3A_160, %dma_start3A_161] : memref<32x1024x512xf32, #tpu.memory_space<hbm>> -> memref<1x32x512xf32, #tpu.memory_space<hbm>>
    %dma_start3A_163 = tpu.memref_squeeze %dma_start3A_162 : memref<1x32x512xf32, #tpu.memory_space<hbm>> -> memref<32x512xf32, #tpu.memory_space<hbm>>
    %dma_start3A_164 = arith.constant 0 : i32
    %dma_start3A_165 = tpu.memref_slice %arg4[%rem3A_158, %mul3A_160, %dma_start3A_164] : memref<32x1024x512xf32, #tpu.memory_space<hbm>> -> memref<1x32x512xf32, #tpu.memory_space<hbm>>
    %dma_start3A_166 = tpu.memref_squeeze %dma_start3A_165 : memref<1x32x512xf32, #tpu.memory_space<hbm>> -> memref<32x512xf32, #tpu.memory_space<hbm>>
    tpu.enqueue_dma source(%arg6 : memref<32x512xf32, #tpu.memory_space<vmem>>) target(%dma_start3A_166 : memref<32x512xf32, #tpu.memory_space<hbm>>) target_semaphore(%arg7 : memref<!tpu.dma_semaphore, #tpu.memory_space<semaphore_mem>>)
    %add3A_167 = arith.constant 7 : i32
    %add3A_168 = arith.addi %add3A, %add3A_167 : i32
    %rem3A_169 = arith.constant 32 : i32
    %rem3A_170 = arith.remsi %add3A_168, %rem3A_169 : i32
    %mul3A_171 = arith.constant 32 : i32
    %mul3A_172 = arith.muli %add3A, %mul3A_171 : i32
    %dma_start3A_173 = arith.constant 0 : i32
    %dma_start3A_174 = tpu.memref_slice %arg4[%rem3A_170, %mul3A_172, %dma_start3A_173] : memref<32x1024x512xf32, #tpu.memory_space<hbm>> -> memref<1x32x512xf32, #tpu.memory_space<hbm>>
    %dma_start3A_175 = tpu.memref_squeeze %dma_start3A_174 : memref<1x32x512xf32, #tpu.memory_space<hbm>> -> memref<32x512xf32, #tpu.memory_space<hbm>>
    %dma_start3A_176 = arith.constant 0 : i32
    %dma_start3A_177 = tpu.memref_slice %arg4[%rem3A_170, %mul3A_172, %dma_start3A_176] : memref<32x1024x512xf32, #tpu.memory_space<hbm>> -> memref<1x32x512xf32, #tpu.memory_space<hbm>>
    %dma_start3A_178 = tpu.memref_squeeze %dma_start3A_177 : memref<1x32x512xf32, #tpu.memory_space<hbm>> -> memref<32x512xf32, #tpu.memory_space<hbm>>
    tpu.enqueue_dma source(%arg6 : memref<32x512xf32, #tpu.memory_space<vmem>>) target(%dma_start3A_178 : memref<32x512xf32, #tpu.memory_space<hbm>>) target_semaphore(%arg7 : memref<!tpu.dma_semaphore, #tpu.memory_space<semaphore_mem>>)
    %add3A_179 = arith.constant 8 : i32
    %add3A_180 = arith.addi %add3A, %add3A_179 : i32
    %rem3A_181 = arith.constant 32 : i32
    %rem3A_182 = arith.remsi %add3A_180, %rem3A_181 : i32
    %mul3A_183 = arith.constant 32 : i32
    %mul3A_184 = arith.muli %add3A, %mul3A_183 : i32
    %dma_start3A_185 = arith.constant 0 : i32
    %dma_start3A_186 = tpu.memref_slice %arg4[%rem3A_182, %mul3A_184, %dma_start3A_185] : memref<32x1024x512xf32, #tpu.memory_space<hbm>> -> memref<1x32x512xf32, #tpu.memory_space<hbm>>
    %dma_start3A_187 = tpu.memref_squeeze %dma_start3A_186 : memref<1x32x512xf32, #tpu.memory_space<hbm>> -> memref<32x512xf32, #tpu.memory_space<hbm>>
    %dma_start3A_188 = arith.constant 0 : i32
    %dma_start3A_189 = tpu.memref_slice %arg4[%rem3A_182, %mul3A_184, %dma_start3A_188] : memref<32x1024x512xf32, #tpu.memory_space<hbm>> -> memref<1x32x512xf32, #tpu.memory_space<hbm>>
    %dma_start3A_190 = tpu.memref_squeeze %dma_start3A_189 : memref<1x32x512xf32, #tpu.memory_space<hbm>> -> memref<32x512xf32, #tpu.memory_space<hbm>>
    tpu.enqueue_dma source(%arg6 : memref<32x512xf32, #tpu.memory_space<vmem>>) target(%dma_start3A_190 : memref<32x512xf32, #tpu.memory_space<hbm>>) target_semaphore(%arg7 : memref<!tpu.dma_semaphore, #tpu.memory_space<semaphore_mem>>)
    %add3A_191 = arith.constant 9 : i32
    %add3A_192 = arith.addi %add3A, %add3A_191 : i32
    %rem3A_193 = arith.constant 32 : i32
    %rem3A_194 = arith.remsi %add3A_192, %rem3A_193 : i32
    %mul3A_195 = arith.constant 32 : i32
    %mul3A_196 = arith.muli %add3A, %mul3A_195 : i32
    %dma_start3A_197 = arith.constant 0 : i32
    %dma_start3A_198 = tpu.memref_slice %arg4[%rem3A_194, %mul3A_196, %dma_start3A_197] : memref<32x1024x512xf32, #tpu.memory_space<hbm>> -> memref<1x32x512xf32, #tpu.memory_space<hbm>>
    %dma_start3A_199 = tpu.memref_squeeze %dma_start3A_198 : memref<1x32x512xf32, #tpu.memory_space<hbm>> -> memref<32x512xf32, #tpu.memory_space<hbm>>
    %dma_start3A_200 = arith.constant 0 : i32
    %dma_start3A_201 = tpu.memref_slice %arg4[%rem3A_194, %mul3A_196, %dma_start3A_200] : memref<32x1024x512xf32, #tpu.memory_space<hbm>> -> memref<1x32x512xf32, #tpu.memory_space<hbm>>
    %dma_start3A_202 = tpu.memref_squeeze %dma_start3A_201 : memref<1x32x512xf32, #tpu.memory_space<hbm>> -> memref<32x512xf32, #tpu.memory_space<hbm>>
    tpu.enqueue_dma source(%arg6 : memref<32x512xf32, #tpu.memory_space<vmem>>) target(%dma_start3A_202 : memref<32x512xf32, #tpu.memory_space<hbm>>) target_semaphore(%arg7 : memref<!tpu.dma_semaphore, #tpu.memory_space<semaphore_mem>>)
    %add3A_203 = arith.constant 10 : i32
    %add3A_204 = arith.addi %add3A, %add3A_203 : i32
    %rem3A_205 = arith.constant 32 : i32
    %rem3A_206 = arith.remsi %add3A_204, %rem3A_205 : i32
    %mul3A_207 = arith.constant 32 : i32
    %mul3A_208 = arith.muli %add3A, %mul3A_207 : i32
    %dma_start3A_209 = arith.constant 0 : i32
    %dma_start3A_210 = tpu.memref_slice %arg4[%rem3A_206, %mul3A_208, %dma_start3A_209] : memref<32x1024x512xf32, #tpu.memory_space<hbm>> -> memref<1x32x512xf32, #tpu.memory_space<hbm>>
    %dma_start3A_211 = tpu.memref_squeeze %dma_start3A_210 : memref<1x32x512xf32, #tpu.memory_space<hbm>> -> memref<32x512xf32, #tpu.memory_space<hbm>>
    %dma_start3A_212 = arith.constant 0 : i32
    %dma_start3A_213 = tpu.memref_slice %arg4[%rem3A_206, %mul3A_208, %dma_start3A_212] : memref<32x1024x512xf32, #tpu.memory_space<hbm>> -> memref<1x32x512xf32, #tpu.memory_space<hbm>>
    %dma_start3A_214 = tpu.memref_squeeze %dma_start3A_213 : memref<1x32x512xf32, #tpu.memory_space<hbm>> -> memref<32x512xf32, #tpu.memory_space<hbm>>
    tpu.enqueue_dma source(%arg6 : memref<32x512xf32, #tpu.memory_space<vmem>>) target(%dma_start3A_214 : memref<32x512xf32, #tpu.memory_space<hbm>>) target_semaphore(%arg7 : memref<!tpu.dma_semaphore, #tpu.memory_space<semaphore_mem>>)
    %add3A_215 = arith.constant 11 : i32
    %add3A_216 = arith.addi %add3A, %add3A_215 : i32
    %rem3A_217 = arith.constant 32 : i32
    %rem3A_218 = arith.remsi %add3A_216, %rem3A_217 : i32
    %mul3A_219 = arith.constant 32 : i32
    %mul3A_220 = arith.muli %add3A, %mul3A_219 : i32
    %dma_start3A_221 = arith.constant 0 : i32
    %dma_start3A_222 = tpu.memref_slice %arg4[%rem3A_218, %mul3A_220, %dma_start3A_221] : memref<32x1024x512xf32, #tpu.memory_space<hbm>> -> memref<1x32x512xf32, #tpu.memory_space<hbm>>
    %dma_start3A_223 = tpu.memref_squeeze %dma_start3A_222 : memref<1x32x512xf32, #tpu.memory_space<hbm>> -> memref<32x512xf32, #tpu.memory_space<hbm>>
    %dma_start3A_224 = arith.constant 0 : i32
    %dma_start3A_225 = tpu.memref_slice %arg4[%rem3A_218, %mul3A_220, %dma_start3A_224] : memref<32x1024x512xf32, #tpu.memory_space<hbm>> -> memref<1x32x512xf32, #tpu.memory_space<hbm>>
    %dma_start3A_226 = tpu.memref_squeeze %dma_start3A_225 : memref<1x32x512xf32, #tpu.memory_space<hbm>> -> memref<32x512xf32, #tpu.memory_space<hbm>>
    tpu.enqueue_dma source(%arg6 : memref<32x512xf32, #tpu.memory_space<vmem>>) target(%dma_start3A_226 : memref<32x512xf32, #tpu.memory_space<hbm>>) target_semaphore(%arg7 : memref<!tpu.dma_semaphore, #tpu.memory_space<semaphore_mem>>)
    %add3A_227 = arith.constant 12 : i32
    %add3A_228 = arith.addi %add3A, %add3A_227 : i32
    %rem3A_229 = arith.constant 32 : i32
    %rem3A_230 = arith.remsi %add3A_228, %rem3A_229 : i32
    %mul3A_231 = arith.constant 32 : i32
    %mul3A_232 = arith.muli %add3A, %mul3A_231 : i32
    %dma_start3A_233 = arith.constant 0 : i32
    %dma_start3A_234 = tpu.memref_slice %arg4[%rem3A_230, %mul3A_232, %dma_start3A_233] : memref<32x1024x512xf32, #tpu.memory_space<hbm>> -> memref<1x32x512xf32, #tpu.memory_space<hbm>>
    %dma_start3A_235 = tpu.memref_squeeze %dma_start3A_234 : memref<1x32x512xf32, #tpu.memory_space<hbm>> -> memref<32x512xf32, #tpu.memory_space<hbm>>
    %dma_start3A_236 = arith.constant 0 : i32
    %dma_start3A_237 = tpu.memref_slice %arg4[%rem3A_230, %mul3A_232, %dma_start3A_236] : memref<32x1024x512xf32, #tpu.memory_space<hbm>> -> memref<1x32x512xf32, #tpu.memory_space<hbm>>
    %dma_start3A_238 = tpu.memref_squeeze %dma_start3A_237 : memref<1x32x512xf32, #tpu.memory_space<hbm>> -> memref<32x512xf32, #tpu.memory_space<hbm>>
    tpu.enqueue_dma source(%arg6 : memref<32x512xf32, #tpu.memory_space<vmem>>) target(%dma_start3A_238 : memref<32x512xf32, #tpu.memory_space<hbm>>) target_semaphore(%arg7 : memref<!tpu.dma_semaphore, #tpu.memory_space<semaphore_mem>>)
    %add3A_239 = arith.constant 13 : i32
    %add3A_240 = arith.addi %add3A, %add3A_239 : i32
    %rem3A_241 = arith.constant 32 : i32
    %rem3A_242 = arith.remsi %add3A_240, %rem3A_241 : i32
    %mul3A_243 = arith.constant 32 : i32
    %mul3A_244 = arith.muli %add3A, %mul3A_243 : i32
    %dma_start3A_245 = arith.constant 0 : i32
    %dma_start3A_246 = tpu.memref_slice %arg4[%rem3A_242, %mul3A_244, %dma_start3A_245] : memref<32x1024x512xf32, #tpu.memory_space<hbm>> -> memref<1x32x512xf32, #tpu.memory_space<hbm>>
    %dma_start3A_247 = tpu.memref_squeeze %dma_start3A_246 : memref<1x32x512xf32, #tpu.memory_space<hbm>> -> memref<32x512xf32, #tpu.memory_space<hbm>>
    %dma_start3A_248 = arith.constant 0 : i32
    %dma_start3A_249 = tpu.memref_slice %arg4[%rem3A_242, %mul3A_244, %dma_start3A_248] : memref<32x1024x512xf32, #tpu.memory_space<hbm>> -> memref<1x32x512xf32, #tpu.memory_space<hbm>>
    %dma_start3A_250 = tpu.memref_squeeze %dma_start3A_249 : memref<1x32x512xf32, #tpu.memory_space<hbm>> -> memref<32x512xf32, #tpu.memory_space<hbm>>
    tpu.enqueue_dma source(%arg6 : memref<32x512xf32, #tpu.memory_space<vmem>>) target(%dma_start3A_250 : memref<32x512xf32, #tpu.memory_space<hbm>>) target_semaphore(%arg7 : memref<!tpu.dma_semaphore, #tpu.memory_space<semaphore_mem>>)
    %add3A_251 = arith.constant 14 : i32
    %add3A_252 = arith.addi %add3A, %add3A_251 : i32
    %rem3A_253 = arith.constant 32 : i32
    %rem3A_254 = arith.remsi %add3A_252, %rem3A_253 : i32
    %mul3A_255 = arith.constant 32 : i32
    %mul3A_256 = arith.muli %add3A, %mul3A_255 : i32
    %dma_start3A_257 = arith.constant 0 : i32
    %dma_start3A_258 = tpu.memref_slice %arg4[%rem3A_254, %mul3A_256, %dma_start3A_257] : memref<32x1024x512xf32, #tpu.memory_space<hbm>> -> memref<1x32x512xf32, #tpu.memory_space<hbm>>
    %dma_start3A_259 = tpu.memref_squeeze %dma_start3A_258 : memref<1x32x512xf32, #tpu.memory_space<hbm>> -> memref<32x512xf32, #tpu.memory_space<hbm>>
    %dma_start3A_260 = arith.constant 0 : i32
    %dma_start3A_261 = tpu.memref_slice %arg4[%rem3A_254, %mul3A_256, %dma_start3A_260] : memref<32x1024x512xf32, #tpu.memory_space<hbm>> -> memref<1x32x512xf32, #tpu.memory_space<hbm>>
    %dma_start3A_262 = tpu.memref_squeeze %dma_start3A_261 : memref<1x32x512xf32, #tpu.memory_space<hbm>> -> memref<32x512xf32, #tpu.memory_space<hbm>>
    tpu.enqueue_dma source(%arg6 : memref<32x512xf32, #tpu.memory_space<vmem>>) target(%dma_start3A_262 : memref<32x512xf32, #tpu.memory_space<hbm>>) target_semaphore(%arg7 : memref<!tpu.dma_semaphore, #tpu.memory_space<semaphore_mem>>)
    %add3A_263 = arith.constant 15 : i32
    %add3A_264 = arith.addi %add3A, %add3A_263 : i32
    %rem3A_265 = arith.constant 32 : i32
    %rem3A_266 = arith.remsi %add3A_264, %rem3A_265 : i32
    %mul3A_267 = arith.constant 32 : i32
    %mul3A_268 = arith.muli %add3A, %mul3A_267 : i32
    %dma_start3A_269 = arith.constant 0 : i32
    %dma_start3A_270 = tpu.memref_slice %arg4[%rem3A_266, %mul3A_268, %dma_start3A_269] : memref<32x1024x512xf32, #tpu.memory_space<hbm>> -> memref<1x32x512xf32, #tpu.memory_space<hbm>>
    %dma_start3A_271 = tpu.memref_squeeze %dma_start3A_270 : memref<1x32x512xf32, #tpu.memory_space<hbm>> -> memref<32x512xf32, #tpu.memory_space<hbm>>
    %dma_start3A_272 = arith.constant 0 : i32
    %dma_start3A_273 = tpu.memref_slice %arg4[%rem3A_266, %mul3A_268, %dma_start3A_272] : memref<32x1024x512xf32, #tpu.memory_space<hbm>> -> memref<1x32x512xf32, #tpu.memory_space<hbm>>
    %dma_start3A_274 = tpu.memref_squeeze %dma_start3A_273 : memref<1x32x512xf32, #tpu.memory_space<hbm>> -> memref<32x512xf32, #tpu.memory_space<hbm>>
    tpu.enqueue_dma source(%arg6 : memref<32x512xf32, #tpu.memory_space<vmem>>) target(%dma_start3A_274 : memref<32x512xf32, #tpu.memory_space<hbm>>) target_semaphore(%arg7 : memref<!tpu.dma_semaphore, #tpu.memory_space<semaphore_mem>>)
    %add3A_275 = arith.constant 16 : i32
    %add3A_276 = arith.addi %add3A, %add3A_275 : i32
    %rem3A_277 = arith.constant 32 : i32
    %rem3A_278 = arith.remsi %add3A_276, %rem3A_277 : i32
    %mul3A_279 = arith.constant 32 : i32
    %mul3A_280 = arith.muli %add3A, %mul3A_279 : i32
    %dma_start3A_281 = arith.constant 0 : i32
    %dma_start3A_282 = tpu.memref_slice %arg4[%rem3A_278, %mul3A_280, %dma_start3A_281] : memref<32x1024x512xf32, #tpu.memory_space<hbm>> -> memref<1x32x512xf32, #tpu.memory_space<hbm>>
    %dma_start3A_283 = tpu.memref_squeeze %dma_start3A_282 : memref<1x32x512xf32, #tpu.memory_space<hbm>> -> memref<32x512xf32, #tpu.memory_space<hbm>>
    %dma_start3A_284 = arith.constant 0 : i32
    %dma_start3A_285 = tpu.memref_slice %arg4[%rem3A_278, %mul3A_280, %dma_start3A_284] : memref<32x1024x512xf32, #tpu.memory_space<hbm>> -> memref<1x32x512xf32, #tpu.memory_space<hbm>>
    %dma_start3A_286 = tpu.memref_squeeze %dma_start3A_285 : memref<1x32x512xf32, #tpu.memory_space<hbm>> -> memref<32x512xf32, #tpu.memory_space<hbm>>
    tpu.enqueue_dma source(%arg6 : memref<32x512xf32, #tpu.memory_space<vmem>>) target(%dma_start3A_286 : memref<32x512xf32, #tpu.memory_space<hbm>>) target_semaphore(%arg7 : memref<!tpu.dma_semaphore, #tpu.memory_space<semaphore_mem>>)
    %add3A_287 = arith.constant 17 : i32
    %add3A_288 = arith.addi %add3A, %add3A_287 : i32
    %rem3A_289 = arith.constant 32 : i32
    %rem3A_290 = arith.remsi %add3A_288, %rem3A_289 : i32
    %mul3A_291 = arith.constant 32 : i32
    %mul3A_292 = arith.muli %add3A, %mul3A_291 : i32
    %dma_start3A_293 = arith.constant 0 : i32
    %dma_start3A_294 = tpu.memref_slice %arg4[%rem3A_290, %mul3A_292, %dma_start3A_293] : memref<32x1024x512xf32, #tpu.memory_space<hbm>> -> memref<1x32x512xf32, #tpu.memory_space<hbm>>
    %dma_start3A_295 = tpu.memref_squeeze %dma_start3A_294 : memref<1x32x512xf32, #tpu.memory_space<hbm>> -> memref<32x512xf32, #tpu.memory_space<hbm>>
    %dma_start3A_296 = arith.constant 0 : i32
    %dma_start3A_297 = tpu.memref_slice %arg4[%rem3A_290, %mul3A_292, %dma_start3A_296] : memref<32x1024x512xf32, #tpu.memory_space<hbm>> -> memref<1x32x512xf32, #tpu.memory_space<hbm>>
    %dma_start3A_298 = tpu.memref_squeeze %dma_start3A_297 : memref<1x32x512xf32, #tpu.memory_space<hbm>> -> memref<32x512xf32, #tpu.memory_space<hbm>>
    tpu.enqueue_dma source(%arg6 : memref<32x512xf32, #tpu.memory_space<vmem>>) target(%dma_start3A_298 : memref<32x512xf32, #tpu.memory_space<hbm>>) target_semaphore(%arg7 : memref<!tpu.dma_semaphore, #tpu.memory_space<semaphore_mem>>)
    %add3A_299 = arith.constant 18 : i32
    %add3A_300 = arith.addi %add3A, %add3A_299 : i32
    %rem3A_301 = arith.constant 32 : i32
    %rem3A_302 = arith.remsi %add3A_300, %rem3A_301 : i32
    %mul3A_303 = arith.constant 32 : i32
    %mul3A_304 = arith.muli %add3A, %mul3A_303 : i32
    %dma_start3A_305 = arith.constant 0 : i32
    %dma_start3A_306 = tpu.memref_slice %arg4[%rem3A_302, %mul3A_304, %dma_start3A_305] : memref<32x1024x512xf32, #tpu.memory_space<hbm>> -> memref<1x32x512xf32, #tpu.memory_space<hbm>>
    %dma_start3A_307 = tpu.memref_squeeze %dma_start3A_306 : memref<1x32x512xf32, #tpu.memory_space<hbm>> -> memref<32x512xf32, #tpu.memory_space<hbm>>
    %dma_start3A_308 = arith.constant 0 : i32
    %dma_start3A_309 = tpu.memref_slice %arg4[%rem3A_302, %mul3A_304, %dma_start3A_308] : memref<32x1024x512xf32, #tpu.memory_space<hbm>> -> memref<1x32x512xf32, #tpu.memory_space<hbm>>
    %dma_start3A_310 = tpu.memref_squeeze %dma_start3A_309 : memref<1x32x512xf32, #tpu.memory_space<hbm>> -> memref<32x512xf32, #tpu.memory_space<hbm>>
    tpu.enqueue_dma source(%arg6 : memref<32x512xf32, #tpu.memory_space<vmem>>) target(%dma_start3A_310 : memref<32x512xf32, #tpu.memory_space<hbm>>) target_semaphore(%arg7 : memref<!tpu.dma_semaphore, #tpu.memory_space<semaphore_mem>>)
    %add3A_311 = arith.constant 19 : i32
    %add3A_312 = arith.addi %add3A, %add3A_311 : i32
    %rem3A_313 = arith.constant 32 : i32
    %rem3A_314 = arith.remsi %add3A_312, %rem3A_313 : i32
    %mul3A_315 = arith.constant 32 : i32
    %mul3A_316 = arith.muli %add3A, %mul3A_315 : i32
    %dma_start3A_317 = arith.constant 0 : i32
    %dma_start3A_318 = tpu.memref_slice %arg4[%rem3A_314, %mul3A_316, %dma_start3A_317] : memref<32x1024x512xf32, #tpu.memory_space<hbm>> -> memref<1x32x512xf32, #tpu.memory_space<hbm>>
    %dma_start3A_319 = tpu.memref_squeeze %dma_start3A_318 : memref<1x32x512xf32, #tpu.memory_space<hbm>> -> memref<32x512xf32, #tpu.memory_space<hbm>>
    %dma_start3A_320 = arith.constant 0 : i32
    %dma_start3A_321 = tpu.memref_slice %arg4[%rem3A_314, %mul3A_316, %dma_start3A_320] : memref<32x1024x512xf32, #tpu.memory_space<hbm>> -> memref<1x32x512xf32, #tpu.memory_space<hbm>>
    %dma_start3A_322 = tpu.memref_squeeze %dma_start3A_321 : memref<1x32x512xf32, #tpu.memory_space<hbm>> -> memref<32x512xf32, #tpu.memory_space<hbm>>
    tpu.enqueue_dma source(%arg6 : memref<32x512xf32, #tpu.memory_space<vmem>>) target(%dma_start3A_322 : memref<32x512xf32, #tpu.memory_space<hbm>>) target_semaphore(%arg7 : memref<!tpu.dma_semaphore, #tpu.memory_space<semaphore_mem>>)
    %add3A_323 = arith.constant 20 : i32
    %add3A_324 = arith.addi %add3A, %add3A_323 : i32
    %rem3A_325 = arith.constant 32 : i32
    %rem3A_326 = arith.remsi %add3A_324, %rem3A_325 : i32
    %mul3A_327 = arith.constant 32 : i32
    %mul3A_328 = arith.muli %add3A, %mul3A_327 : i32
    %dma_start3A_329 = arith.constant 0 : i32
    %dma_start3A_330 = tpu.memref_slice %arg4[%rem3A_326, %mul3A_328, %dma_start3A_329] : memref<32x1024x512xf32, #tpu.memory_space<hbm>> -> memref<1x32x512xf32, #tpu.memory_space<hbm>>
    %dma_start3A_331 = tpu.memref_squeeze %dma_start3A_330 : memref<1x32x512xf32, #tpu.memory_space<hbm>> -> memref<32x512xf32, #tpu.memory_space<hbm>>
    %dma_start3A_332 = arith.constant 0 : i32
    %dma_start3A_333 = tpu.memref_slice %arg4[%rem3A_326, %mul3A_328, %dma_start3A_332] : memref<32x1024x512xf32, #tpu.memory_space<hbm>> -> memref<1x32x512xf32, #tpu.memory_space<hbm>>
    %dma_start3A_334 = tpu.memref_squeeze %dma_start3A_333 : memref<1x32x512xf32, #tpu.memory_space<hbm>> -> memref<32x512xf32, #tpu.memory_space<hbm>>
    tpu.enqueue_dma source(%arg6 : memref<32x512xf32, #tpu.memory_space<vmem>>) target(%dma_start3A_334 : memref<32x512xf32, #tpu.memory_space<hbm>>) target_semaphore(%arg7 : memref<!tpu.dma_semaphore, #tpu.memory_space<semaphore_mem>>)
    %add3A_335 = arith.constant 21 : i32
    %add3A_336 = arith.addi %add3A, %add3A_335 : i32
    %rem3A_337 = arith.constant 32 : i32
    %rem3A_338 = arith.remsi %add3A_336, %rem3A_337 : i32
    %mul3A_339 = arith.constant 32 : i32
    %mul3A_340 = arith.muli %add3A, %mul3A_339 : i32
    %dma_start3A_341 = arith.constant 0 : i32
    %dma_start3A_342 = tpu.memref_slice %arg4[%rem3A_338, %mul3A_340, %dma_start3A_341] : memref<32x1024x512xf32, #tpu.memory_space<hbm>> -> memref<1x32x512xf32, #tpu.memory_space<hbm>>
    %dma_start3A_343 = tpu.memref_squeeze %dma_start3A_342 : memref<1x32x512xf32, #tpu.memory_space<hbm>> -> memref<32x512xf32, #tpu.memory_space<hbm>>
    %dma_start3A_344 = arith.constant 0 : i32
    %dma_start3A_345 = tpu.memref_slice %arg4[%rem3A_338, %mul3A_340, %dma_start3A_344] : memref<32x1024x512xf32, #tpu.memory_space<hbm>> -> memref<1x32x512xf32, #tpu.memory_space<hbm>>
    %dma_start3A_346 = tpu.memref_squeeze %dma_start3A_345 : memref<1x32x512xf32, #tpu.memory_space<hbm>> -> memref<32x512xf32, #tpu.memory_space<hbm>>
    tpu.enqueue_dma source(%arg6 : memref<32x512xf32, #tpu.memory_space<vmem>>) target(%dma_start3A_346 : memref<32x512xf32, #tpu.memory_space<hbm>>) target_semaphore(%arg7 : memref<!tpu.dma_semaphore, #tpu.memory_space<semaphore_mem>>)
    %add3A_347 = arith.constant 22 : i32
    %add3A_348 = arith.addi %add3A, %add3A_347 : i32
    %rem3A_349 = arith.constant 32 : i32
    %rem3A_350 = arith.remsi %add3A_348, %rem3A_349 : i32
    %mul3A_351 = arith.constant 32 : i32
    %mul3A_352 = arith.muli %add3A, %mul3A_351 : i32
    %dma_start3A_353 = arith.constant 0 : i32
    %dma_start3A_354 = tpu.memref_slice %arg4[%rem3A_350, %mul3A_352, %dma_start3A_353] : memref<32x1024x512xf32, #tpu.memory_space<hbm>> -> memref<1x32x512xf32, #tpu.memory_space<hbm>>
    %dma_start3A_355 = tpu.memref_squeeze %dma_start3A_354 : memref<1x32x512xf32, #tpu.memory_space<hbm>> -> memref<32x512xf32, #tpu.memory_space<hbm>>
    %dma_start3A_356 = arith.constant 0 : i32
    %dma_start3A_357 = tpu.memref_slice %arg4[%rem3A_350, %mul3A_352, %dma_start3A_356] : memref<32x1024x512xf32, #tpu.memory_space<hbm>> -> memref<1x32x512xf32, #tpu.memory_space<hbm>>
    %dma_start3A_358 = tpu.memref_squeeze %dma_start3A_357 : memref<1x32x512xf32, #tpu.memory_space<hbm>> -> memref<32x512xf32, #tpu.memory_space<hbm>>
    tpu.enqueue_dma source(%arg6 : memref<32x512xf32, #tpu.memory_space<vmem>>) target(%dma_start3A_358 : memref<32x512xf32, #tpu.memory_space<hbm>>) target_semaphore(%arg7 : memref<!tpu.dma_semaphore, #tpu.memory_space<semaphore_mem>>)
    %add3A_359 = arith.constant 23 : i32
    %add3A_360 = arith.addi %add3A, %add3A_359 : i32
    %rem3A_361 = arith.constant 32 : i32
    %rem3A_362 = arith.remsi %add3A_360, %rem3A_361 : i32
    %mul3A_363 = arith.constant 32 : i32
    %mul3A_364 = arith.muli %add3A, %mul3A_363 : i32
    %dma_start3A_365 = arith.constant 0 : i32
    %dma_start3A_366 = tpu.memref_slice %arg4[%rem3A_362, %mul3A_364, %dma_start3A_365] : memref<32x1024x512xf32, #tpu.memory_space<hbm>> -> memref<1x32x512xf32, #tpu.memory_space<hbm>>
    %dma_start3A_367 = tpu.memref_squeeze %dma_start3A_366 : memref<1x32x512xf32, #tpu.memory_space<hbm>> -> memref<32x512xf32, #tpu.memory_space<hbm>>
    %dma_start3A_368 = arith.constant 0 : i32
    %dma_start3A_369 = tpu.memref_slice %arg4[%rem3A_362, %mul3A_364, %dma_start3A_368] : memref<32x1024x512xf32, #tpu.memory_space<hbm>> -> memref<1x32x512xf32, #tpu.memory_space<hbm>>
    %dma_start3A_370 = tpu.memref_squeeze %dma_start3A_369 : memref<1x32x512xf32, #tpu.memory_space<hbm>> -> memref<32x512xf32, #tpu.memory_space<hbm>>
    tpu.enqueue_dma source(%arg6 : memref<32x512xf32, #tpu.memory_space<vmem>>) target(%dma_start3A_370 : memref<32x512xf32, #tpu.memory_space<hbm>>) target_semaphore(%arg7 : memref<!tpu.dma_semaphore, #tpu.memory_space<semaphore_mem>>)
    %add3A_371 = arith.constant 24 : i32
    %add3A_372 = arith.addi %add3A, %add3A_371 : i32
    %rem3A_373 = arith.constant 32 : i32
    %rem3A_374 = arith.remsi %add3A_372, %rem3A_373 : i32
    %mul3A_375 = arith.constant 32 : i32
    %mul3A_376 = arith.muli %add3A, %mul3A_375 : i32
    %dma_start3A_377 = arith.constant 0 : i32
    %dma_start3A_378 = tpu.memref_slice %arg4[%rem3A_374, %mul3A_376, %dma_start3A_377] : memref<32x1024x512xf32, #tpu.memory_space<hbm>> -> memref<1x32x512xf32, #tpu.memory_space<hbm>>
    %dma_start3A_379 = tpu.memref_squeeze %dma_start3A_378 : memref<1x32x512xf32, #tpu.memory_space<hbm>> -> memref<32x512xf32, #tpu.memory_space<hbm>>
    %dma_start3A_380 = arith.constant 0 : i32
    %dma_start3A_381 = tpu.memref_slice %arg4[%rem3A_374, %mul3A_376, %dma_start3A_380] : memref<32x1024x512xf32, #tpu.memory_space<hbm>> -> memref<1x32x512xf32, #tpu.memory_space<hbm>>
    %dma_start3A_382 = tpu.memref_squeeze %dma_start3A_381 : memref<1x32x512xf32, #tpu.memory_space<hbm>> -> memref<32x512xf32, #tpu.memory_space<hbm>>
    tpu.enqueue_dma source(%arg6 : memref<32x512xf32, #tpu.memory_space<vmem>>) target(%dma_start3A_382 : memref<32x512xf32, #tpu.memory_space<hbm>>) target_semaphore(%arg7 : memref<!tpu.dma_semaphore, #tpu.memory_space<semaphore_mem>>)
    %add3A_383 = arith.constant 25 : i32
    %add3A_384 = arith.addi %add3A, %add3A_383 : i32
    %rem3A_385 = arith.constant 32 : i32
    %rem3A_386 = arith.remsi %add3A_384, %rem3A_385 : i32
    %mul3A_387 = arith.constant 32 : i32
    %mul3A_388 = arith.muli %add3A, %mul3A_387 : i32
    %dma_start3A_389 = arith.constant 0 : i32
    %dma_start3A_390 = tpu.memref_slice %arg4[%rem3A_386, %mul3A_388, %dma_start3A_389] : memref<32x1024x512xf32, #tpu.memory_space<hbm>> -> memref<1x32x512xf32, #tpu.memory_space<hbm>>
    %dma_start3A_391 = tpu.memref_squeeze %dma_start3A_390 : memref<1x32x512xf32, #tpu.memory_space<hbm>> -> memref<32x512xf32, #tpu.memory_space<hbm>>
    %dma_start3A_392 = arith.constant 0 : i32
    %dma_start3A_393 = tpu.memref_slice %arg4[%rem3A_386, %mul3A_388, %dma_start3A_392] : memref<32x1024x512xf32, #tpu.memory_space<hbm>> -> memref<1x32x512xf32, #tpu.memory_space<hbm>>
    %dma_start3A_394 = tpu.memref_squeeze %dma_start3A_393 : memref<1x32x512xf32, #tpu.memory_space<hbm>> -> memref<32x512xf32, #tpu.memory_space<hbm>>
    tpu.enqueue_dma source(%arg6 : memref<32x512xf32, #tpu.memory_space<vmem>>) target(%dma_start3A_394 : memref<32x512xf32, #tpu.memory_space<hbm>>) target_semaphore(%arg7 : memref<!tpu.dma_semaphore, #tpu.memory_space<semaphore_mem>>)
    %add3A_395 = arith.constant 26 : i32
    %add3A_396 = arith.addi %add3A, %add3A_395 : i32
    %rem3A_397 = arith.constant 32 : i32
    %rem3A_398 = arith.remsi %add3A_396, %rem3A_397 : i32
    %mul3A_399 = arith.constant 32 : i32
    %mul3A_400 = arith.muli %add3A, %mul3A_399 : i32
    %dma_start3A_401 = arith.constant 0 : i32
    %dma_start3A_402 = tpu.memref_slice %arg4[%rem3A_398, %mul3A_400, %dma_start3A_401] : memref<32x1024x512xf32, #tpu.memory_space<hbm>> -> memref<1x32x512xf32, #tpu.memory_space<hbm>>
    %dma_start3A_403 = tpu.memref_squeeze %dma_start3A_402 : memref<1x32x512xf32, #tpu.memory_space<hbm>> -> memref<32x512xf32, #tpu.memory_space<hbm>>
    %dma_start3A_404 = arith.constant 0 : i32
    %dma_start3A_405 = tpu.memref_slice %arg4[%rem3A_398, %mul3A_400, %dma_start3A_404] : memref<32x1024x512xf32, #tpu.memory_space<hbm>> -> memref<1x32x512xf32, #tpu.memory_space<hbm>>
    %dma_start3A_406 = tpu.memref_squeeze %dma_start3A_405 : memref<1x32x512xf32, #tpu.memory_space<hbm>> -> memref<32x512xf32, #tpu.memory_space<hbm>>
    tpu.enqueue_dma source(%arg6 : memref<32x512xf32, #tpu.memory_space<vmem>>) target(%dma_start3A_406 : memref<32x512xf32, #tpu.memory_space<hbm>>) target_semaphore(%arg7 : memref<!tpu.dma_semaphore, #tpu.memory_space<semaphore_mem>>)
    %add3A_407 = arith.constant 27 : i32
    %add3A_408 = arith.addi %add3A, %add3A_407 : i32
    %rem3A_409 = arith.constant 32 : i32
    %rem3A_410 = arith.remsi %add3A_408, %rem3A_409 : i32
    %mul3A_411 = arith.constant 32 : i32
    %mul3A_412 = arith.muli %add3A, %mul3A_411 : i32
    %dma_start3A_413 = arith.constant 0 : i32
    %dma_start3A_414 = tpu.memref_slice %arg4[%rem3A_410, %mul3A_412, %dma_start3A_413] : memref<32x1024x512xf32, #tpu.memory_space<hbm>> -> memref<1x32x512xf32, #tpu.memory_space<hbm>>
    %dma_start3A_415 = tpu.memref_squeeze %dma_start3A_414 : memref<1x32x512xf32, #tpu.memory_space<hbm>> -> memref<32x512xf32, #tpu.memory_space<hbm>>
    %dma_start3A_416 = arith.constant 0 : i32
    %dma_start3A_417 = tpu.memref_slice %arg4[%rem3A_410, %mul3A_412, %dma_start3A_416] : memref<32x1024x512xf32, #tpu.memory_space<hbm>> -> memref<1x32x512xf32, #tpu.memory_space<hbm>>
    %dma_start3A_418 = tpu.memref_squeeze %dma_start3A_417 : memref<1x32x512xf32, #tpu.memory_space<hbm>> -> memref<32x512xf32, #tpu.memory_space<hbm>>
    tpu.enqueue_dma source(%arg6 : memref<32x512xf32, #tpu.memory_space<vmem>>) target(%dma_start3A_418 : memref<32x512xf32, #tpu.memory_space<hbm>>) target_semaphore(%arg7 : memref<!tpu.dma_semaphore, #tpu.memory_space<semaphore_mem>>)
    %add3A_419 = arith.constant 28 : i32
    %add3A_420 = arith.addi %add3A, %add3A_419 : i32
    %rem3A_421 = arith.constant 32 : i32
    %rem3A_422 = arith.remsi %add3A_420, %rem3A_421 : i32
    %mul3A_423 = arith.constant 32 : i32
    %mul3A_424 = arith.muli %add3A, %mul3A_423 : i32
    %dma_start3A_425 = arith.constant 0 : i32
    %dma_start3A_426 = tpu.memref_slice %arg4[%rem3A_422, %mul3A_424, %dma_start3A_425] : memref<32x1024x512xf32, #tpu.memory_space<hbm>> -> memref<1x32x512xf32, #tpu.memory_space<hbm>>
    %dma_start3A_427 = tpu.memref_squeeze %dma_start3A_426 : memref<1x32x512xf32, #tpu.memory_space<hbm>> -> memref<32x512xf32, #tpu.memory_space<hbm>>
    %dma_start3A_428 = arith.constant 0 : i32
    %dma_start3A_429 = tpu.memref_slice %arg4[%rem3A_422, %mul3A_424, %dma_start3A_428] : memref<32x1024x512xf32, #tpu.memory_space<hbm>> -> memref<1x32x512xf32, #tpu.memory_space<hbm>>
    %dma_start3A_430 = tpu.memref_squeeze %dma_start3A_429 : memref<1x32x512xf32, #tpu.memory_space<hbm>> -> memref<32x512xf32, #tpu.memory_space<hbm>>
    tpu.enqueue_dma source(%arg6 : memref<32x512xf32, #tpu.memory_space<vmem>>) target(%dma_start3A_430 : memref<32x512xf32, #tpu.memory_space<hbm>>) target_semaphore(%arg7 : memref<!tpu.dma_semaphore, #tpu.memory_space<semaphore_mem>>)
    %add3A_431 = arith.constant 29 : i32
    %add3A_432 = arith.addi %add3A, %add3A_431 : i32
    %rem3A_433 = arith.constant 32 : i32
    %rem3A_434 = arith.remsi %add3A_432, %rem3A_433 : i32
    %mul3A_435 = arith.constant 32 : i32
    %mul3A_436 = arith.muli %add3A, %mul3A_435 : i32
    %dma_start3A_437 = arith.constant 0 : i32
    %dma_start3A_438 = tpu.memref_slice %arg4[%rem3A_434, %mul3A_436, %dma_start3A_437] : memref<32x1024x512xf32, #tpu.memory_space<hbm>> -> memref<1x32x512xf32, #tpu.memory_space<hbm>>
    %dma_start3A_439 = tpu.memref_squeeze %dma_start3A_438 : memref<1x32x512xf32, #tpu.memory_space<hbm>> -> memref<32x512xf32, #tpu.memory_space<hbm>>
    %dma_start3A_440 = arith.constant 0 : i32
    %dma_start3A_441 = tpu.memref_slice %arg4[%rem3A_434, %mul3A_436, %dma_start3A_440] : memref<32x1024x512xf32, #tpu.memory_space<hbm>> -> memref<1x32x512xf32, #tpu.memory_space<hbm>>
    %dma_start3A_442 = tpu.memref_squeeze %dma_start3A_441 : memref<1x32x512xf32, #tpu.memory_space<hbm>> -> memref<32x512xf32, #tpu.memory_space<hbm>>
    tpu.enqueue_dma source(%arg6 : memref<32x512xf32, #tpu.memory_space<vmem>>) target(%dma_start3A_442 : memref<32x512xf32, #tpu.memory_space<hbm>>) target_semaphore(%arg7 : memref<!tpu.dma_semaphore, #tpu.memory_space<semaphore_mem>>)
    %add3A_443 = arith.constant 30 : i32
    %add3A_444 = arith.addi %add3A, %add3A_443 : i32
    %rem3A_445 = arith.constant 32 : i32
    %rem3A_446 = arith.remsi %add3A_444, %rem3A_445 : i32
    %mul3A_447 = arith.constant 32 : i32
    %mul3A_448 = arith.muli %add3A, %mul3A_447 : i32
    %dma_start3A_449 = arith.constant 0 : i32
    %dma_start3A_450 = tpu.memref_slice %arg4[%rem3A_446, %mul3A_448, %dma_start3A_449] : memref<32x1024x512xf32, #tpu.memory_space<hbm>> -> memref<1x32x512xf32, #tpu.memory_space<hbm>>
    %dma_start3A_451 = tpu.memref_squeeze %dma_start3A_450 : memref<1x32x512xf32, #tpu.memory_space<hbm>> -> memref<32x512xf32, #tpu.memory_space<hbm>>
    %dma_start3A_452 = arith.constant 0 : i32
    %dma_start3A_453 = tpu.memref_slice %arg4[%rem3A_446, %mul3A_448, %dma_start3A_452] : memref<32x1024x512xf32, #tpu.memory_space<hbm>> -> memref<1x32x512xf32, #tpu.memory_space<hbm>>
    %dma_start3A_454 = tpu.memref_squeeze %dma_start3A_453 : memref<1x32x512xf32, #tpu.memory_space<hbm>> -> memref<32x512xf32, #tpu.memory_space<hbm>>
    tpu.enqueue_dma source(%arg6 : memref<32x512xf32, #tpu.memory_space<vmem>>) target(%dma_start3A_454 : memref<32x512xf32, #tpu.memory_space<hbm>>) target_semaphore(%arg7 : memref<!tpu.dma_semaphore, #tpu.memory_space<semaphore_mem>>)
    %add3A_455 = arith.constant 31 : i32
    %add3A_456 = arith.addi %add3A, %add3A_455 : i32
    %rem3A_457 = arith.constant 32 : i32
    %rem3A_458 = arith.remsi %add3A_456, %rem3A_457 : i32
    %mul3A_459 = arith.constant 32 : i32
    %mul3A_460 = arith.muli %add3A, %mul3A_459 : i32
    %dma_start3A_461 = arith.constant 0 : i32
    %dma_start3A_462 = tpu.memref_slice %arg4[%rem3A_458, %mul3A_460, %dma_start3A_461] : memref<32x1024x512xf32, #tpu.memory_space<hbm>> -> memref<1x32x512xf32, #tpu.memory_space<hbm>>
    %dma_start3A_463 = tpu.memref_squeeze %dma_start3A_462 : memref<1x32x512xf32, #tpu.memory_space<hbm>> -> memref<32x512xf32, #tpu.memory_space<hbm>>
    %dma_start3A_464 = arith.constant 0 : i32
    %dma_start3A_465 = tpu.memref_slice %arg4[%rem3A_458, %mul3A_460, %dma_start3A_464] : memref<32x1024x512xf32, #tpu.memory_space<hbm>> -> memref<1x32x512xf32, #tpu.memory_space<hbm>>
    %dma_start3A_466 = tpu.memref_squeeze %dma_start3A_465 : memref<1x32x512xf32, #tpu.memory_space<hbm>> -> memref<32x512xf32, #tpu.memory_space<hbm>>
    tpu.enqueue_dma source(%arg6 : memref<32x512xf32, #tpu.memory_space<vmem>>) target(%dma_start3A_466 : memref<32x512xf32, #tpu.memory_space<hbm>>) target_semaphore(%arg7 : memref<!tpu.dma_semaphore, #tpu.memory_space<semaphore_mem>>)
    %dma_wait3A = arith.constant 0 : i32
    %dma_wait3A_467 = tpu.memref_slice %arg4[%rem3A_87, %mul3A_89, %dma_wait3A] : memref<32x1024x512xf32, #tpu.memory_space<hbm>> -> memref<1x32x512xf32, #tpu.memory_space<hbm>>
    %dma_wait3A_468 = tpu.memref_squeeze %dma_wait3A_467 : memref<1x32x512xf32, #tpu.memory_space<hbm>> -> memref<32x512xf32, #tpu.memory_space<hbm>>
    %dma_wait3A_469 = arith.constant 0 : i32
    %dma_wait3A_470 = tpu.memref_slice %arg4[%rem3A_87, %mul3A_89, %dma_wait3A_469] : memref<32x1024x512xf32, #tpu.memory_space<hbm>> -> memref<1x32x512xf32, #tpu.memory_space<hbm>>
    %dma_wait3A_471 = tpu.memref_squeeze %dma_wait3A_470 : memref<1x32x512xf32, #tpu.memory_space<hbm>> -> memref<32x512xf32, #tpu.memory_space<hbm>>
    tpu.wait_dma2 semaphore(%arg7 : memref<!tpu.dma_semaphore, #tpu.memory_space<semaphore_mem>>) src(%arg6 : memref<32x512xf32, #tpu.memory_space<vmem>>) dst(%dma_wait3A_471 : memref<32x512xf32, #tpu.memory_space<hbm>>)
    %dma_wait3A_472 = arith.constant 0 : i32
    %dma_wait3A_473 = tpu.memref_slice %arg4[%rem3A_98, %mul3A_100, %dma_wait3A_472] : memref<32x1024x512xf32, #tpu.memory_space<hbm>> -> memref<1x32x512xf32, #tpu.memory_space<hbm>>
    %dma_wait3A_474 = tpu.memref_squeeze %dma_wait3A_473 : memref<1x32x512xf32, #tpu.memory_space<hbm>> -> memref<32x512xf32, #tpu.memory_space<hbm>>
    %dma_wait3A_475 = arith.constant 0 : i32
    %dma_wait3A_476 = tpu.memref_slice %arg4[%rem3A_98, %mul3A_100, %dma_wait3A_475] : memref<32x1024x512xf32, #tpu.memory_space<hbm>> -> memref<1x32x512xf32, #tpu.memory_space<hbm>>
    %dma_wait3A_477 = tpu.memref_squeeze %dma_wait3A_476 : memref<1x32x512xf32, #tpu.memory_space<hbm>> -> memref<32x512xf32, #tpu.memory_space<hbm>>
    tpu.wait_dma2 semaphore(%arg7 : memref<!tpu.dma_semaphore, #tpu.memory_space<semaphore_mem>>) src(%arg6 : memref<32x512xf32, #tpu.memory_space<vmem>>) dst(%dma_wait3A_477 : memref<32x512xf32, #tpu.memory_space<hbm>>)
    %dma_wait3A_478 = arith.constant 0 : i32
    %dma_wait3A_479 = tpu.memref_slice %arg4[%rem3A_110, %mul3A_112, %dma_wait3A_478] : memref<32x1024x512xf32, #tpu.memory_space<hbm>> -> memref<1x32x512xf32, #tpu.memory_space<hbm>>
    %dma_wait3A_480 = tpu.memref_squeeze %dma_wait3A_479 : memref<1x32x512xf32, #tpu.memory_space<hbm>> -> memref<32x512xf32, #tpu.memory_space<hbm>>
    %dma_wait3A_481 = arith.constant 0 : i32
    %dma_wait3A_482 = tpu.memref_slice %arg4[%rem3A_110, %mul3A_112, %dma_wait3A_481] : memref<32x1024x512xf32, #tpu.memory_space<hbm>> -> memref<1x32x512xf32, #tpu.memory_space<hbm>>
    %dma_wait3A_483 = tpu.memref_squeeze %dma_wait3A_482 : memref<1x32x512xf32, #tpu.memory_space<hbm>> -> memref<32x512xf32, #tpu.memory_space<hbm>>
    tpu.wait_dma2 semaphore(%arg7 : memref<!tpu.dma_semaphore, #tpu.memory_space<semaphore_mem>>) src(%arg6 : memref<32x512xf32, #tpu.memory_space<vmem>>) dst(%dma_wait3A_483 : memref<32x512xf32, #tpu.memory_space<hbm>>)
    %dma_wait3A_484 = arith.constant 0 : i32
    %dma_wait3A_485 = tpu.memref_slice %arg4[%rem3A_122, %mul3A_124, %dma_wait3A_484] : memref<32x1024x512xf32, #tpu.memory_space<hbm>> -> memref<1x32x512xf32, #tpu.memory_space<hbm>>
    %dma_wait3A_486 = tpu.memref_squeeze %dma_wait3A_485 : memref<1x32x512xf32, #tpu.memory_space<hbm>> -> memref<32x512xf32, #tpu.memory_space<hbm>>
    %dma_wait3A_487 = arith.constant 0 : i32
    %dma_wait3A_488 = tpu.memref_slice %arg4[%rem3A_122, %mul3A_124, %dma_wait3A_487] : memref<32x1024x512xf32, #tpu.memory_space<hbm>> -> memref<1x32x512xf32, #tpu.memory_space<hbm>>
    %dma_wait3A_489 = tpu.memref_squeeze %dma_wait3A_488 : memref<1x32x512xf32, #tpu.memory_space<hbm>> -> memref<32x512xf32, #tpu.memory_space<hbm>>
    tpu.wait_dma2 semaphore(%arg7 : memref<!tpu.dma_semaphore, #tpu.memory_space<semaphore_mem>>) src(%arg6 : memref<32x512xf32, #tpu.memory_space<vmem>>) dst(%dma_wait3A_489 : memref<32x512xf32, #tpu.memory_space<hbm>>)
    %dma_wait3A_490 = arith.constant 0 : i32
    %dma_wait3A_491 = tpu.memref_slice %arg4[%rem3A_134, %mul3A_136, %dma_wait3A_490] : memref<32x1024x512xf32, #tpu.memory_space<hbm>> -> memref<1x32x512xf32, #tpu.memory_space<hbm>>
    %dma_wait3A_492 = tpu.memref_squeeze %dma_wait3A_491 : memref<1x32x512xf32, #tpu.memory_space<hbm>> -> memref<32x512xf32, #tpu.memory_space<hbm>>
    %dma_wait3A_493 = arith.constant 0 : i32
    %dma_wait3A_494 = tpu.memref_slice %arg4[%rem3A_134, %mul3A_136, %dma_wait3A_493] : memref<32x1024x512xf32, #tpu.memory_space<hbm>> -> memref<1x32x512xf32, #tpu.memory_space<hbm>>
    %dma_wait3A_495 = tpu.memref_squeeze %dma_wait3A_494 : memref<1x32x512xf32, #tpu.memory_space<hbm>> -> memref<32x512xf32, #tpu.memory_space<hbm>>
    tpu.wait_dma2 semaphore(%arg7 : memref<!tpu.dma_semaphore, #tpu.memory_space<semaphore_mem>>) src(%arg6 : memref<32x512xf32, #tpu.memory_space<vmem>>) dst(%dma_wait3A_495 : memref<32x512xf32, #tpu.memory_space<hbm>>)
    %dma_wait3A_496 = arith.constant 0 : i32
    %dma_wait3A_497 = tpu.memref_slice %arg4[%rem3A_146, %mul3A_148, %dma_wait3A_496] : memref<32x1024x512xf32, #tpu.memory_space<hbm>> -> memref<1x32x512xf32, #tpu.memory_space<hbm>>
    %dma_wait3A_498 = tpu.memref_squeeze %dma_wait3A_497 : memref<1x32x512xf32, #tpu.memory_space<hbm>> -> memref<32x512xf32, #tpu.memory_space<hbm>>
    %dma_wait3A_499 = arith.constant 0 : i32
    %dma_wait3A_500 = tpu.memref_slice %arg4[%rem3A_146, %mul3A_148, %dma_wait3A_499] : memref<32x1024x512xf32, #tpu.memory_space<hbm>> -> memref<1x32x512xf32, #tpu.memory_space<hbm>>
    %dma_wait3A_501 = tpu.memref_squeeze %dma_wait3A_500 : memref<1x32x512xf32, #tpu.memory_space<hbm>> -> memref<32x512xf32, #tpu.memory_space<hbm>>
    tpu.wait_dma2 semaphore(%arg7 : memref<!tpu.dma_semaphore, #tpu.memory_space<semaphore_mem>>) src(%arg6 : memref<32x512xf32, #tpu.memory_space<vmem>>) dst(%dma_wait3A_501 : memref<32x512xf32, #tpu.memory_space<hbm>>)
    %dma_wait3A_502 = arith.constant 0 : i32
    %dma_wait3A_503 = tpu.memref_slice %arg4[%rem3A_158, %mul3A_160, %dma_wait3A_502] : memref<32x1024x512xf32, #tpu.memory_space<hbm>> -> memref<1x32x512xf32, #tpu.memory_space<hbm>>
    %dma_wait3A_504 = tpu.memref_squeeze %dma_wait3A_503 : memref<1x32x512xf32, #tpu.memory_space<hbm>> -> memref<32x512xf32, #tpu.memory_space<hbm>>
    %dma_wait3A_505 = arith.constant 0 : i32
    %dma_wait3A_506 = tpu.memref_slice %arg4[%rem3A_158, %mul3A_160, %dma_wait3A_505] : memref<32x1024x512xf32, #tpu.memory_space<hbm>> -> memref<1x32x512xf32, #tpu.memory_space<hbm>>
    %dma_wait3A_507 = tpu.memref_squeeze %dma_wait3A_506 : memref<1x32x512xf32, #tpu.memory_space<hbm>> -> memref<32x512xf32, #tpu.memory_space<hbm>>
    tpu.wait_dma2 semaphore(%arg7 : memref<!tpu.dma_semaphore, #tpu.memory_space<semaphore_mem>>) src(%arg6 : memref<32x512xf32, #tpu.memory_space<vmem>>) dst(%dma_wait3A_507 : memref<32x512xf32, #tpu.memory_space<hbm>>)
    %dma_wait3A_508 = arith.constant 0 : i32
    %dma_wait3A_509 = tpu.memref_slice %arg4[%rem3A_170, %mul3A_172, %dma_wait3A_508] : memref<32x1024x512xf32, #tpu.memory_space<hbm>> -> memref<1x32x512xf32, #tpu.memory_space<hbm>>
    %dma_wait3A_510 = tpu.memref_squeeze %dma_wait3A_509 : memref<1x32x512xf32, #tpu.memory_space<hbm>> -> memref<32x512xf32, #tpu.memory_space<hbm>>
    %dma_wait3A_511 = arith.constant 0 : i32
    %dma_wait3A_512 = tpu.memref_slice %arg4[%rem3A_170, %mul3A_172, %dma_wait3A_511] : memref<32x1024x512xf32, #tpu.memory_space<hbm>> -> memref<1x32x512xf32, #tpu.memory_space<hbm>>
    %dma_wait3A_513 = tpu.memref_squeeze %dma_wait3A_512 : memref<1x32x512xf32, #tpu.memory_space<hbm>> -> memref<32x512xf32, #tpu.memory_space<hbm>>
    tpu.wait_dma2 semaphore(%arg7 : memref<!tpu.dma_semaphore, #tpu.memory_space<semaphore_mem>>) src(%arg6 : memref<32x512xf32, #tpu.memory_space<vmem>>) dst(%dma_wait3A_513 : memref<32x512xf32, #tpu.memory_space<hbm>>)
    %dma_wait3A_514 = arith.constant 0 : i32
    %dma_wait3A_515 = tpu.memref_slice %arg4[%rem3A_182, %mul3A_184, %dma_wait3A_514] : memref<32x1024x512xf32, #tpu.memory_space<hbm>> -> memref<1x32x512xf32, #tpu.memory_space<hbm>>
    %dma_wait3A_516 = tpu.memref_squeeze %dma_wait3A_515 : memref<1x32x512xf32, #tpu.memory_space<hbm>> -> memref<32x512xf32, #tpu.memory_space<hbm>>
    %dma_wait3A_517 = arith.constant 0 : i32
    %dma_wait3A_518 = tpu.memref_slice %arg4[%rem3A_182, %mul3A_184, %dma_wait3A_517] : memref<32x1024x512xf32, #tpu.memory_space<hbm>> -> memref<1x32x512xf32, #tpu.memory_space<hbm>>
    %dma_wait3A_519 = tpu.memref_squeeze %dma_wait3A_518 : memref<1x32x512xf32, #tpu.memory_space<hbm>> -> memref<32x512xf32, #tpu.memory_space<hbm>>
    tpu.wait_dma2 semaphore(%arg7 : memref<!tpu.dma_semaphore, #tpu.memory_space<semaphore_mem>>) src(%arg6 : memref<32x512xf32, #tpu.memory_space<vmem>>) dst(%dma_wait3A_519 : memref<32x512xf32, #tpu.memory_space<hbm>>)
    %dma_wait3A_520 = arith.constant 0 : i32
    %dma_wait3A_521 = tpu.memref_slice %arg4[%rem3A_194, %mul3A_196, %dma_wait3A_520] : memref<32x1024x512xf32, #tpu.memory_space<hbm>> -> memref<1x32x512xf32, #tpu.memory_space<hbm>>
    %dma_wait3A_522 = tpu.memref_squeeze %dma_wait3A_521 : memref<1x32x512xf32, #tpu.memory_space<hbm>> -> memref<32x512xf32, #tpu.memory_space<hbm>>
    %dma_wait3A_523 = arith.constant 0 : i32
    %dma_wait3A_524 = tpu.memref_slice %arg4[%rem3A_194, %mul3A_196, %dma_wait3A_523] : memref<32x1024x512xf32, #tpu.memory_space<hbm>> -> memref<1x32x512xf32, #tpu.memory_space<hbm>>
    %dma_wait3A_525 = tpu.memref_squeeze %dma_wait3A_524 : memref<1x32x512xf32, #tpu.memory_space<hbm>> -> memref<32x512xf32, #tpu.memory_space<hbm>>
    tpu.wait_dma2 semaphore(%arg7 : memref<!tpu.dma_semaphore, #tpu.memory_space<semaphore_mem>>) src(%arg6 : memref<32x512xf32, #tpu.memory_space<vmem>>) dst(%dma_wait3A_525 : memref<32x512xf32, #tpu.memory_space<hbm>>)
    %dma_wait3A_526 = arith.constant 0 : i32
    %dma_wait3A_527 = tpu.memref_slice %arg4[%rem3A_206, %mul3A_208, %dma_wait3A_526] : memref<32x1024x512xf32, #tpu.memory_space<hbm>> -> memref<1x32x512xf32, #tpu.memory_space<hbm>>
    %dma_wait3A_528 = tpu.memref_squeeze %dma_wait3A_527 : memref<1x32x512xf32, #tpu.memory_space<hbm>> -> memref<32x512xf32, #tpu.memory_space<hbm>>
    %dma_wait3A_529 = arith.constant 0 : i32
    %dma_wait3A_530 = tpu.memref_slice %arg4[%rem3A_206, %mul3A_208, %dma_wait3A_529] : memref<32x1024x512xf32, #tpu.memory_space<hbm>> -> memref<1x32x512xf32, #tpu.memory_space<hbm>>
    %dma_wait3A_531 = tpu.memref_squeeze %dma_wait3A_530 : memref<1x32x512xf32, #tpu.memory_space<hbm>> -> memref<32x512xf32, #tpu.memory_space<hbm>>
    tpu.wait_dma2 semaphore(%arg7 : memref<!tpu.dma_semaphore, #tpu.memory_space<semaphore_mem>>) src(%arg6 : memref<32x512xf32, #tpu.memory_space<vmem>>) dst(%dma_wait3A_531 : memref<32x512xf32, #tpu.memory_space<hbm>>)
    %dma_wait3A_532 = arith.constant 0 : i32
    %dma_wait3A_533 = tpu.memref_slice %arg4[%rem3A_218, %mul3A_220, %dma_wait3A_532] : memref<32x1024x512xf32, #tpu.memory_space<hbm>> -> memref<1x32x512xf32, #tpu.memory_space<hbm>>
    %dma_wait3A_534 = tpu.memref_squeeze %dma_wait3A_533 : memref<1x32x512xf32, #tpu.memory_space<hbm>> -> memref<32x512xf32, #tpu.memory_space<hbm>>
    %dma_wait3A_535 = arith.constant 0 : i32
    %dma_wait3A_536 = tpu.memref_slice %arg4[%rem3A_218, %mul3A_220, %dma_wait3A_535] : memref<32x1024x512xf32, #tpu.memory_space<hbm>> -> memref<1x32x512xf32, #tpu.memory_space<hbm>>
    %dma_wait3A_537 = tpu.memref_squeeze %dma_wait3A_536 : memref<1x32x512xf32, #tpu.memory_space<hbm>> -> memref<32x512xf32, #tpu.memory_space<hbm>>
    tpu.wait_dma2 semaphore(%arg7 : memref<!tpu.dma_semaphore, #tpu.memory_space<semaphore_mem>>) src(%arg6 : memref<32x512xf32, #tpu.memory_space<vmem>>) dst(%dma_wait3A_537 : memref<32x512xf32, #tpu.memory_space<hbm>>)
    %dma_wait3A_538 = arith.constant 0 : i32
    %dma_wait3A_539 = tpu.memref_slice %arg4[%rem3A_230, %mul3A_232, %dma_wait3A_538] : memref<32x1024x512xf32, #tpu.memory_space<hbm>> -> memref<1x32x512xf32, #tpu.memory_space<hbm>>
    %dma_wait3A_540 = tpu.memref_squeeze %dma_wait3A_539 : memref<1x32x512xf32, #tpu.memory_space<hbm>> -> memref<32x512xf32, #tpu.memory_space<hbm>>
    %dma_wait3A_541 = arith.constant 0 : i32
    %dma_wait3A_542 = tpu.memref_slice %arg4[%rem3A_230, %mul3A_232, %dma_wait3A_541] : memref<32x1024x512xf32, #tpu.memory_space<hbm>> -> memref<1x32x512xf32, #tpu.memory_space<hbm>>
    %dma_wait3A_543 = tpu.memref_squeeze %dma_wait3A_542 : memref<1x32x512xf32, #tpu.memory_space<hbm>> -> memref<32x512xf32, #tpu.memory_space<hbm>>
    tpu.wait_dma2 semaphore(%arg7 : memref<!tpu.dma_semaphore, #tpu.memory_space<semaphore_mem>>) src(%arg6 : memref<32x512xf32, #tpu.memory_space<vmem>>) dst(%dma_wait3A_543 : memref<32x512xf32, #tpu.memory_space<hbm>>)
    %dma_wait3A_544 = arith.constant 0 : i32
    %dma_wait3A_545 = tpu.memref_slice %arg4[%rem3A_242, %mul3A_244, %dma_wait3A_544] : memref<32x1024x512xf32, #tpu.memory_space<hbm>> -> memref<1x32x512xf32, #tpu.memory_space<hbm>>
    %dma_wait3A_546 = tpu.memref_squeeze %dma_wait3A_545 : memref<1x32x512xf32, #tpu.memory_space<hbm>> -> memref<32x512xf32, #tpu.memory_space<hbm>>
    %dma_wait3A_547 = arith.constant 0 : i32
    %dma_wait3A_548 = tpu.memref_slice %arg4[%rem3A_242, %mul3A_244, %dma_wait3A_547] : memref<32x1024x512xf32, #tpu.memory_space<hbm>> -> memref<1x32x512xf32, #tpu.memory_space<hbm>>
    %dma_wait3A_549 = tpu.memref_squeeze %dma_wait3A_548 : memref<1x32x512xf32, #tpu.memory_space<hbm>> -> memref<32x512xf32, #tpu.memory_space<hbm>>
    tpu.wait_dma2 semaphore(%arg7 : memref<!tpu.dma_semaphore, #tpu.memory_space<semaphore_mem>>) src(%arg6 : memref<32x512xf32, #tpu.memory_space<vmem>>) dst(%dma_wait3A_549 : memref<32x512xf32, #tpu.memory_space<hbm>>)
    %dma_wait3A_550 = arith.constant 0 : i32
    %dma_wait3A_551 = tpu.memref_slice %arg4[%rem3A_254, %mul3A_256, %dma_wait3A_550] : memref<32x1024x512xf32, #tpu.memory_space<hbm>> -> memref<1x32x512xf32, #tpu.memory_space<hbm>>
    %dma_wait3A_552 = tpu.memref_squeeze %dma_wait3A_551 : memref<1x32x512xf32, #tpu.memory_space<hbm>> -> memref<32x512xf32, #tpu.memory_space<hbm>>
    %dma_wait3A_553 = arith.constant 0 : i32
    %dma_wait3A_554 = tpu.memref_slice %arg4[%rem3A_254, %mul3A_256, %dma_wait3A_553] : memref<32x1024x512xf32, #tpu.memory_space<hbm>> -> memref<1x32x512xf32, #tpu.memory_space<hbm>>
    %dma_wait3A_555 = tpu.memref_squeeze %dma_wait3A_554 : memref<1x32x512xf32, #tpu.memory_space<hbm>> -> memref<32x512xf32, #tpu.memory_space<hbm>>
    tpu.wait_dma2 semaphore(%arg7 : memref<!tpu.dma_semaphore, #tpu.memory_space<semaphore_mem>>) src(%arg6 : memref<32x512xf32, #tpu.memory_space<vmem>>) dst(%dma_wait3A_555 : memref<32x512xf32, #tpu.memory_space<hbm>>)
    %dma_wait3A_556 = arith.constant 0 : i32
    %dma_wait3A_557 = tpu.memref_slice %arg4[%rem3A_266, %mul3A_268, %dma_wait3A_556] : memref<32x1024x512xf32, #tpu.memory_space<hbm>> -> memref<1x32x512xf32, #tpu.memory_space<hbm>>
    %dma_wait3A_558 = tpu.memref_squeeze %dma_wait3A_557 : memref<1x32x512xf32, #tpu.memory_space<hbm>> -> memref<32x512xf32, #tpu.memory_space<hbm>>
    %dma_wait3A_559 = arith.constant 0 : i32
    %dma_wait3A_560 = tpu.memref_slice %arg4[%rem3A_266, %mul3A_268, %dma_wait3A_559] : memref<32x1024x512xf32, #tpu.memory_space<hbm>> -> memref<1x32x512xf32, #tpu.memory_space<hbm>>
    %dma_wait3A_561 = tpu.memref_squeeze %dma_wait3A_560 : memref<1x32x512xf32, #tpu.memory_space<hbm>> -> memref<32x512xf32, #tpu.memory_space<hbm>>
    tpu.wait_dma2 semaphore(%arg7 : memref<!tpu.dma_semaphore, #tpu.memory_space<semaphore_mem>>) src(%arg6 : memref<32x512xf32, #tpu.memory_space<vmem>>) dst(%dma_wait3A_561 : memref<32x512xf32, #tpu.memory_space<hbm>>)
    %dma_wait3A_562 = arith.constant 0 : i32
    %dma_wait3A_563 = tpu.memref_slice %arg4[%rem3A_278, %mul3A_280, %dma_wait3A_562] : memref<32x1024x512xf32, #tpu.memory_space<hbm>> -> memref<1x32x512xf32, #tpu.memory_space<hbm>>
    %dma_wait3A_564 = tpu.memref_squeeze %dma_wait3A_563 : memref<1x32x512xf32, #tpu.memory_space<hbm>> -> memref<32x512xf32, #tpu.memory_space<hbm>>
    %dma_wait3A_565 = arith.constant 0 : i32
    %dma_wait3A_566 = tpu.memref_slice %arg4[%rem3A_278, %mul3A_280, %dma_wait3A_565] : memref<32x1024x512xf32, #tpu.memory_space<hbm>> -> memref<1x32x512xf32, #tpu.memory_space<hbm>>
    %dma_wait3A_567 = tpu.memref_squeeze %dma_wait3A_566 : memref<1x32x512xf32, #tpu.memory_space<hbm>> -> memref<32x512xf32, #tpu.memory_space<hbm>>
    tpu.wait_dma2 semaphore(%arg7 : memref<!tpu.dma_semaphore, #tpu.memory_space<semaphore_mem>>) src(%arg6 : memref<32x512xf32, #tpu.memory_space<vmem>>) dst(%dma_wait3A_567 : memref<32x512xf32, #tpu.memory_space<hbm>>)
    %dma_wait3A_568 = arith.constant 0 : i32
    %dma_wait3A_569 = tpu.memref_slice %arg4[%rem3A_290, %mul3A_292, %dma_wait3A_568] : memref<32x1024x512xf32, #tpu.memory_space<hbm>> -> memref<1x32x512xf32, #tpu.memory_space<hbm>>
    %dma_wait3A_570 = tpu.memref_squeeze %dma_wait3A_569 : memref<1x32x512xf32, #tpu.memory_space<hbm>> -> memref<32x512xf32, #tpu.memory_space<hbm>>
    %dma_wait3A_571 = arith.constant 0 : i32
    %dma_wait3A_572 = tpu.memref_slice %arg4[%rem3A_290, %mul3A_292, %dma_wait3A_571] : memref<32x1024x512xf32, #tpu.memory_space<hbm>> -> memref<1x32x512xf32, #tpu.memory_space<hbm>>
    %dma_wait3A_573 = tpu.memref_squeeze %dma_wait3A_572 : memref<1x32x512xf32, #tpu.memory_space<hbm>> -> memref<32x512xf32, #tpu.memory_space<hbm>>
    tpu.wait_dma2 semaphore(%arg7 : memref<!tpu.dma_semaphore, #tpu.memory_space<semaphore_mem>>) src(%arg6 : memref<32x512xf32, #tpu.memory_space<vmem>>) dst(%dma_wait3A_573 : memref<32x512xf32, #tpu.memory_space<hbm>>)
    %dma_wait3A_574 = arith.constant 0 : i32
    %dma_wait3A_575 = tpu.memref_slice %arg4[%rem3A_302, %mul3A_304, %dma_wait3A_574] : memref<32x1024x512xf32, #tpu.memory_space<hbm>> -> memref<1x32x512xf32, #tpu.memory_space<hbm>>
    %dma_wait3A_576 = tpu.memref_squeeze %dma_wait3A_575 : memref<1x32x512xf32, #tpu.memory_space<hbm>> -> memref<32x512xf32, #tpu.memory_space<hbm>>
    %dma_wait3A_577 = arith.constant 0 : i32
    %dma_wait3A_578 = tpu.memref_slice %arg4[%rem3A_302, %mul3A_304, %dma_wait3A_577] : memref<32x1024x512xf32, #tpu.memory_space<hbm>> -> memref<1x32x512xf32, #tpu.memory_space<hbm>>
    %dma_wait3A_579 = tpu.memref_squeeze %dma_wait3A_578 : memref<1x32x512xf32, #tpu.memory_space<hbm>> -> memref<32x512xf32, #tpu.memory_space<hbm>>
    tpu.wait_dma2 semaphore(%arg7 : memref<!tpu.dma_semaphore, #tpu.memory_space<semaphore_mem>>) src(%arg6 : memref<32x512xf32, #tpu.memory_space<vmem>>) dst(%dma_wait3A_579 : memref<32x512xf32, #tpu.memory_space<hbm>>)
    %dma_wait3A_580 = arith.constant 0 : i32
    %dma_wait3A_581 = tpu.memref_slice %arg4[%rem3A_314, %mul3A_316, %dma_wait3A_580] : memref<32x1024x512xf32, #tpu.memory_space<hbm>> -> memref<1x32x512xf32, #tpu.memory_space<hbm>>
    %dma_wait3A_582 = tpu.memref_squeeze %dma_wait3A_581 : memref<1x32x512xf32, #tpu.memory_space<hbm>> -> memref<32x512xf32, #tpu.memory_space<hbm>>
    %dma_wait3A_583 = arith.constant 0 : i32
    %dma_wait3A_584 = tpu.memref_slice %arg4[%rem3A_314, %mul3A_316, %dma_wait3A_583] : memref<32x1024x512xf32, #tpu.memory_space<hbm>> -> memref<1x32x512xf32, #tpu.memory_space<hbm>>
    %dma_wait3A_585 = tpu.memref_squeeze %dma_wait3A_584 : memref<1x32x512xf32, #tpu.memory_space<hbm>> -> memref<32x512xf32, #tpu.memory_space<hbm>>
    tpu.wait_dma2 semaphore(%arg7 : memref<!tpu.dma_semaphore, #tpu.memory_space<semaphore_mem>>) src(%arg6 : memref<32x512xf32, #tpu.memory_space<vmem>>) dst(%dma_wait3A_585 : memref<32x512xf32, #tpu.memory_space<hbm>>)
    %dma_wait3A_586 = arith.constant 0 : i32
    %dma_wait3A_587 = tpu.memref_slice %arg4[%rem3A_326, %mul3A_328, %dma_wait3A_586] : memref<32x1024x512xf32, #tpu.memory_space<hbm>> -> memref<1x32x512xf32, #tpu.memory_space<hbm>>
    %dma_wait3A_588 = tpu.memref_squeeze %dma_wait3A_587 : memref<1x32x512xf32, #tpu.memory_space<hbm>> -> memref<32x512xf32, #tpu.memory_space<hbm>>
    %dma_wait3A_589 = arith.constant 0 : i32
    %dma_wait3A_590 = tpu.memref_slice %arg4[%rem3A_326, %mul3A_328, %dma_wait3A_589] : memref<32x1024x512xf32, #tpu.memory_space<hbm>> -> memref<1x32x512xf32, #tpu.memory_space<hbm>>
    %dma_wait3A_591 = tpu.memref_squeeze %dma_wait3A_590 : memref<1x32x512xf32, #tpu.memory_space<hbm>> -> memref<32x512xf32, #tpu.memory_space<hbm>>
    tpu.wait_dma2 semaphore(%arg7 : memref<!tpu.dma_semaphore, #tpu.memory_space<semaphore_mem>>) src(%arg6 : memref<32x512xf32, #tpu.memory_space<vmem>>) dst(%dma_wait3A_591 : memref<32x512xf32, #tpu.memory_space<hbm>>)
    %dma_wait3A_592 = arith.constant 0 : i32
    %dma_wait3A_593 = tpu.memref_slice %arg4[%rem3A_338, %mul3A_340, %dma_wait3A_592] : memref<32x1024x512xf32, #tpu.memory_space<hbm>> -> memref<1x32x512xf32, #tpu.memory_space<hbm>>
    %dma_wait3A_594 = tpu.memref_squeeze %dma_wait3A_593 : memref<1x32x512xf32, #tpu.memory_space<hbm>> -> memref<32x512xf32, #tpu.memory_space<hbm>>
    %dma_wait3A_595 = arith.constant 0 : i32
    %dma_wait3A_596 = tpu.memref_slice %arg4[%rem3A_338, %mul3A_340, %dma_wait3A_595] : memref<32x1024x512xf32, #tpu.memory_space<hbm>> -> memref<1x32x512xf32, #tpu.memory_space<hbm>>
    %dma_wait3A_597 = tpu.memref_squeeze %dma_wait3A_596 : memref<1x32x512xf32, #tpu.memory_space<hbm>> -> memref<32x512xf32, #tpu.memory_space<hbm>>
    tpu.wait_dma2 semaphore(%arg7 : memref<!tpu.dma_semaphore, #tpu.memory_space<semaphore_mem>>) src(%arg6 : memref<32x512xf32, #tpu.memory_space<vmem>>) dst(%dma_wait3A_597 : memref<32x512xf32, #tpu.memory_space<hbm>>)
    %dma_wait3A_598 = arith.constant 0 : i32
    %dma_wait3A_599 = tpu.memref_slice %arg4[%rem3A_350, %mul3A_352, %dma_wait3A_598] : memref<32x1024x512xf32, #tpu.memory_space<hbm>> -> memref<1x32x512xf32, #tpu.memory_space<hbm>>
    %dma_wait3A_600 = tpu.memref_squeeze %dma_wait3A_599 : memref<1x32x512xf32, #tpu.memory_space<hbm>> -> memref<32x512xf32, #tpu.memory_space<hbm>>
    %dma_wait3A_601 = arith.constant 0 : i32
    %dma_wait3A_602 = tpu.memref_slice %arg4[%rem3A_350, %mul3A_352, %dma_wait3A_601] : memref<32x1024x512xf32, #tpu.memory_space<hbm>> -> memref<1x32x512xf32, #tpu.memory_space<hbm>>
    %dma_wait3A_603 = tpu.memref_squeeze %dma_wait3A_602 : memref<1x32x512xf32, #tpu.memory_space<hbm>> -> memref<32x512xf32, #tpu.memory_space<hbm>>
    tpu.wait_dma2 semaphore(%arg7 : memref<!tpu.dma_semaphore, #tpu.memory_space<semaphore_mem>>) src(%arg6 : memref<32x512xf32, #tpu.memory_space<vmem>>) dst(%dma_wait3A_603 : memref<32x512xf32, #tpu.memory_space<hbm>>)
    %dma_wait3A_604 = arith.constant 0 : i32
    %dma_wait3A_605 = tpu.memref_slice %arg4[%rem3A_362, %mul3A_364, %dma_wait3A_604] : memref<32x1024x512xf32, #tpu.memory_space<hbm>> -> memref<1x32x512xf32, #tpu.memory_space<hbm>>
    %dma_wait3A_606 = tpu.memref_squeeze %dma_wait3A_605 : memref<1x32x512xf32, #tpu.memory_space<hbm>> -> memref<32x512xf32, #tpu.memory_space<hbm>>
    %dma_wait3A_607 = arith.constant 0 : i32
    %dma_wait3A_608 = tpu.memref_slice %arg4[%rem3A_362, %mul3A_364, %dma_wait3A_607] : memref<32x1024x512xf32, #tpu.memory_space<hbm>> -> memref<1x32x512xf32, #tpu.memory_space<hbm>>
    %dma_wait3A_609 = tpu.memref_squeeze %dma_wait3A_608 : memref<1x32x512xf32, #tpu.memory_space<hbm>> -> memref<32x512xf32, #tpu.memory_space<hbm>>
    tpu.wait_dma2 semaphore(%arg7 : memref<!tpu.dma_semaphore, #tpu.memory_space<semaphore_mem>>) src(%arg6 : memref<32x512xf32, #tpu.memory_space<vmem>>) dst(%dma_wait3A_609 : memref<32x512xf32, #tpu.memory_space<hbm>>)
    %dma_wait3A_610 = arith.constant 0 : i32
    %dma_wait3A_611 = tpu.memref_slice %arg4[%rem3A_374, %mul3A_376, %dma_wait3A_610] : memref<32x1024x512xf32, #tpu.memory_space<hbm>> -> memref<1x32x512xf32, #tpu.memory_space<hbm>>
    %dma_wait3A_612 = tpu.memref_squeeze %dma_wait3A_611 : memref<1x32x512xf32, #tpu.memory_space<hbm>> -> memref<32x512xf32, #tpu.memory_space<hbm>>
    %dma_wait3A_613 = arith.constant 0 : i32
    %dma_wait3A_614 = tpu.memref_slice %arg4[%rem3A_374, %mul3A_376, %dma_wait3A_613] : memref<32x1024x512xf32, #tpu.memory_space<hbm>> -> memref<1x32x512xf32, #tpu.memory_space<hbm>>
    %dma_wait3A_615 = tpu.memref_squeeze %dma_wait3A_614 : memref<1x32x512xf32, #tpu.memory_space<hbm>> -> memref<32x512xf32, #tpu.memory_space<hbm>>
    tpu.wait_dma2 semaphore(%arg7 : memref<!tpu.dma_semaphore, #tpu.memory_space<semaphore_mem>>) src(%arg6 : memref<32x512xf32, #tpu.memory_space<vmem>>) dst(%dma_wait3A_615 : memref<32x512xf32, #tpu.memory_space<hbm>>)
    %dma_wait3A_616 = arith.constant 0 : i32
    %dma_wait3A_617 = tpu.memref_slice %arg4[%rem3A_386, %mul3A_388, %dma_wait3A_616] : memref<32x1024x512xf32, #tpu.memory_space<hbm>> -> memref<1x32x512xf32, #tpu.memory_space<hbm>>
    %dma_wait3A_618 = tpu.memref_squeeze %dma_wait3A_617 : memref<1x32x512xf32, #tpu.memory_space<hbm>> -> memref<32x512xf32, #tpu.memory_space<hbm>>
    %dma_wait3A_619 = arith.constant 0 : i32
    %dma_wait3A_620 = tpu.memref_slice %arg4[%rem3A_386, %mul3A_388, %dma_wait3A_619] : memref<32x1024x512xf32, #tpu.memory_space<hbm>> -> memref<1x32x512xf32, #tpu.memory_space<hbm>>
    %dma_wait3A_621 = tpu.memref_squeeze %dma_wait3A_620 : memref<1x32x512xf32, #tpu.memory_space<hbm>> -> memref<32x512xf32, #tpu.memory_space<hbm>>
    tpu.wait_dma2 semaphore(%arg7 : memref<!tpu.dma_semaphore, #tpu.memory_space<semaphore_mem>>) src(%arg6 : memref<32x512xf32, #tpu.memory_space<vmem>>) dst(%dma_wait3A_621 : memref<32x512xf32, #tpu.memory_space<hbm>>)
    %dma_wait3A_622 = arith.constant 0 : i32
    %dma_wait3A_623 = tpu.memref_slice %arg4[%rem3A_398, %mul3A_400, %dma_wait3A_622] : memref<32x1024x512xf32, #tpu.memory_space<hbm>> -> memref<1x32x512xf32, #tpu.memory_space<hbm>>
    %dma_wait3A_624 = tpu.memref_squeeze %dma_wait3A_623 : memref<1x32x512xf32, #tpu.memory_space<hbm>> -> memref<32x512xf32, #tpu.memory_space<hbm>>
    %dma_wait3A_625 = arith.constant 0 : i32
    %dma_wait3A_626 = tpu.memref_slice %arg4[%rem3A_398, %mul3A_400, %dma_wait3A_625] : memref<32x1024x512xf32, #tpu.memory_space<hbm>> -> memref<1x32x512xf32, #tpu.memory_space<hbm>>
    %dma_wait3A_627 = tpu.memref_squeeze %dma_wait3A_626 : memref<1x32x512xf32, #tpu.memory_space<hbm>> -> memref<32x512xf32, #tpu.memory_space<hbm>>
    tpu.wait_dma2 semaphore(%arg7 : memref<!tpu.dma_semaphore, #tpu.memory_space<semaphore_mem>>) src(%arg6 : memref<32x512xf32, #tpu.memory_space<vmem>>) dst(%dma_wait3A_627 : memref<32x512xf32, #tpu.memory_space<hbm>>)
    %dma_wait3A_628 = arith.constant 0 : i32
    %dma_wait3A_629 = tpu.memref_slice %arg4[%rem3A_410, %mul3A_412, %dma_wait3A_628] : memref<32x1024x512xf32, #tpu.memory_space<hbm>> -> memref<1x32x512xf32, #tpu.memory_space<hbm>>
    %dma_wait3A_630 = tpu.memref_squeeze %dma_wait3A_629 : memref<1x32x512xf32, #tpu.memory_space<hbm>> -> memref<32x512xf32, #tpu.memory_space<hbm>>
    %dma_wait3A_631 = arith.constant 0 : i32
    %dma_wait3A_632 = tpu.memref_slice %arg4[%rem3A_410, %mul3A_412, %dma_wait3A_631] : memref<32x1024x512xf32, #tpu.memory_space<hbm>> -> memref<1x32x512xf32, #tpu.memory_space<hbm>>
    %dma_wait3A_633 = tpu.memref_squeeze %dma_wait3A_632 : memref<1x32x512xf32, #tpu.memory_space<hbm>> -> memref<32x512xf32, #tpu.memory_space<hbm>>
    tpu.wait_dma2 semaphore(%arg7 : memref<!tpu.dma_semaphore, #tpu.memory_space<semaphore_mem>>) src(%arg6 : memref<32x512xf32, #tpu.memory_space<vmem>>) dst(%dma_wait3A_633 : memref<32x512xf32, #tpu.memory_space<hbm>>)
    %dma_wait3A_634 = arith.constant 0 : i32
    %dma_wait3A_635 = tpu.memref_slice %arg4[%rem3A_422, %mul3A_424, %dma_wait3A_634] : memref<32x1024x512xf32, #tpu.memory_space<hbm>> -> memref<1x32x512xf32, #tpu.memory_space<hbm>>
    %dma_wait3A_636 = tpu.memref_squeeze %dma_wait3A_635 : memref<1x32x512xf32, #tpu.memory_space<hbm>> -> memref<32x512xf32, #tpu.memory_space<hbm>>
    %dma_wait3A_637 = arith.constant 0 : i32
    %dma_wait3A_638 = tpu.memref_slice %arg4[%rem3A_422, %mul3A_424, %dma_wait3A_637] : memref<32x1024x512xf32, #tpu.memory_space<hbm>> -> memref<1x32x512xf32, #tpu.memory_space<hbm>>
    %dma_wait3A_639 = tpu.memref_squeeze %dma_wait3A_638 : memref<1x32x512xf32, #tpu.memory_space<hbm>> -> memref<32x512xf32, #tpu.memory_space<hbm>>
    tpu.wait_dma2 semaphore(%arg7 : memref<!tpu.dma_semaphore, #tpu.memory_space<semaphore_mem>>) src(%arg6 : memref<32x512xf32, #tpu.memory_space<vmem>>) dst(%dma_wait3A_639 : memref<32x512xf32, #tpu.memory_space<hbm>>)
    %dma_wait3A_640 = arith.constant 0 : i32
    %dma_wait3A_641 = tpu.memref_slice %arg4[%rem3A_434, %mul3A_436, %dma_wait3A_640] : memref<32x1024x512xf32, #tpu.memory_space<hbm>> -> memref<1x32x512xf32, #tpu.memory_space<hbm>>
    %dma_wait3A_642 = tpu.memref_squeeze %dma_wait3A_641 : memref<1x32x512xf32, #tpu.memory_space<hbm>> -> memref<32x512xf32, #tpu.memory_space<hbm>>
    %dma_wait3A_643 = arith.constant 0 : i32
    %dma_wait3A_644 = tpu.memref_slice %arg4[%rem3A_434, %mul3A_436, %dma_wait3A_643] : memref<32x1024x512xf32, #tpu.memory_space<hbm>> -> memref<1x32x512xf32, #tpu.memory_space<hbm>>
    %dma_wait3A_645 = tpu.memref_squeeze %dma_wait3A_644 : memref<1x32x512xf32, #tpu.memory_space<hbm>> -> memref<32x512xf32, #tpu.memory_space<hbm>>
    tpu.wait_dma2 semaphore(%arg7 : memref<!tpu.dma_semaphore, #tpu.memory_space<semaphore_mem>>) src(%arg6 : memref<32x512xf32, #tpu.memory_space<vmem>>) dst(%dma_wait3A_645 : memref<32x512xf32, #tpu.memory_space<hbm>>)
    %dma_wait3A_646 = arith.constant 0 : i32
    %dma_wait3A_647 = tpu.memref_slice %arg4[%rem3A_446, %mul3A_448, %dma_wait3A_646] : memref<32x1024x512xf32, #tpu.memory_space<hbm>> -> memref<1x32x512xf32, #tpu.memory_space<hbm>>
    %dma_wait3A_648 = tpu.memref_squeeze %dma_wait3A_647 : memref<1x32x512xf32, #tpu.memory_space<hbm>> -> memref<32x512xf32, #tpu.memory_space<hbm>>
    %dma_wait3A_649 = arith.constant 0 : i32
    %dma_wait3A_650 = tpu.memref_slice %arg4[%rem3A_446, %mul3A_448, %dma_wait3A_649] : memref<32x1024x512xf32, #tpu.memory_space<hbm>> -> memref<1x32x512xf32, #tpu.memory_space<hbm>>
    %dma_wait3A_651 = tpu.memref_squeeze %dma_wait3A_650 : memref<1x32x512xf32, #tpu.memory_space<hbm>> -> memref<32x512xf32, #tpu.memory_space<hbm>>
    tpu.wait_dma2 semaphore(%arg7 : memref<!tpu.dma_semaphore, #tpu.memory_space<semaphore_mem>>) src(%arg6 : memref<32x512xf32, #tpu.memory_space<vmem>>) dst(%dma_wait3A_651 : memref<32x512xf32, #tpu.memory_space<hbm>>)
    %dma_wait3A_652 = arith.constant 0 : i32
    %dma_wait3A_653 = tpu.memref_slice %arg4[%rem3A_458, %mul3A_460, %dma_wait3A_652] : memref<32x1024x512xf32, #tpu.memory_space<hbm>> -> memref<1x32x512xf32, #tpu.memory_space<hbm>>
    %dma_wait3A_654 = tpu.memref_squeeze %dma_wait3A_653 : memref<1x32x512xf32, #tpu.memory_space<hbm>> -> memref<32x512xf32, #tpu.memory_space<hbm>>
    %dma_wait3A_655 = arith.constant 0 : i32
    %dma_wait3A_656 = tpu.memref_slice %arg4[%rem3A_458, %mul3A_460, %dma_wait3A_655] : memref<32x1024x512xf32, #tpu.memory_space<hbm>> -> memref<1x32x512xf32, #tpu.memory_space<hbm>>
    %dma_wait3A_657 = tpu.memref_squeeze %dma_wait3A_656 : memref<1x32x512xf32, #tpu.memory_space<hbm>> -> memref<32x512xf32, #tpu.memory_space<hbm>>
    tpu.wait_dma2 semaphore(%arg7 : memref<!tpu.dma_semaphore, #tpu.memory_space<semaphore_mem>>) src(%arg6 : memref<32x512xf32, #tpu.memory_space<vmem>>) dst(%dma_wait3A_657 : memref<32x512xf32, #tpu.memory_space<hbm>>)
    return
  }
}

</mosaic_0001>

<sc_bundles>
// kernel: kernel.3.cloned.1.call-start
scs
__scs_entry_jumppad:
0x0: {  	(pc) =	sbr.rel $0x88, $3  }
0x1: {  	(tag) =	ssettag $0x0;
	lr =	simm.s32 $0x1  }
0x2: {  	[smem:$0x3F9F] =	sst lr;
	_ =	strace $0xD0000000  }
0x3: {  	_ = 	snop  }
0x4: {  	_ = 	snop  }
0x5: {  	_ = 	snop  }
0x6: {  	_ = 	snop  }
0x7: {  	_ = 	snop  }
__scs_overlays_trampoline_lowered:
0x8: {  	[smem:$0x3FAE] =	sst s0  }
0x9: {  	[smem:$0x3FAF] =	sst s1  }
0xa: {  	[smem:$0x3FB0] =	sst s2  }
0xb: {  	[smem:$0x3FB1] =	sst s3  }
0xc: {  	[smem:$0x3FB2] =	sst s4  }
0xd: {  	[smem:$0x3FB3] =	sst s5  }
0xe: {  	[smem:$0x3FB4] =	sst s6  }
0xf: {  	[smem:$0x3FB5] =	sst s7  }
0x10: {  	[smem:$0x3FB6] =	sst s8  }
0x11: {  	[smem:$0x3FB7] =	sst s9;
	s0 =	simm.s32 @!p0 $0x0  }
0x12: {  	s1 =	sld [smem:$0x3F9D];
	s0 =	simm.s32 @p0 $0x1  }
0x13: {  	[smem:$0x3FB8] =	sst s0;
	s0 =	simm.s32 @!p1 $0x0  }
0x14: {  	s2 =	sld [smem:$0x3F9C];
	s0 =	simm.s32 @p1 $0x1  }
0x15: {  	[smem:$0x3FB9] =	sst s0;
	s0 =	simm.s32 @!p2 $0x0  }
0x16: {  	s3 =	sld [smem:$0x3FDB];
	s0 =	simm.s32 @p2 $0x1  }
0x17: {  	s4 =	simm.s32 $0x1BF5;
	[smem:$0x3FBB] =	sst s0  }
0x18: {  	s0 =	sld [smem:$0x3F9E];
	_ =	swait.ge [sflag:s4], $0x0  }
0x19: {  	s7 =	sld [smem:$0x3F9F]  }
0x1a: {  	s8 =	sadd.s32 $0xFFFFE003, lr  }
0x1b: {  	s9 =	sadd.s32 $0xFFFFFEF7, lr;
	s5 =	simm.s32 $0xFFFFFFFF;
	p2 =	slt.u32 s8, $0xFFFFF086  }
0x1c: {  	p1 =	slt.u32 s9, $0xF7A;
	s5 =	simm.s32 @!p2 $0x0  }
0x1d: {  	s5 =	simm.s32 @p1 $0x1;
	p0 =	seq.s32 s7, s2  }
0x1e: {  	s7 =	smul.u32 @!p0 $0xF7A, s2;
	p2 =	seq.s32 @!p0 s5, $0x0  }
0x1f: {  	s9 =	smul.u32 $0xF7A, s1;
	s8 =	simm.s32 @!p0 $0x1BF5;
	p2 =	por !p2, p0  }
0x20: {  	[sflag:s8] =	ssyncset.s32 @!p0 $0xFFFFF086;
	s6 =	sadd.s32 @!p0 s3, s7;
	s7 =	simm.s32 @!p0 $0x108  }
0x21: {  	s3 =	sadd.s32 s3, s9;
	s6 =	sadd.s32 @!p0 $0x88, s6;
	s7 =	simm.s32 @p2 $0x1082  }
0x22: {  	[simem:s7], [sflag:s8] =	dma.local @!p0 [hbm:s6], $0xF7A  }
0x23: {  	s9 =	sor.u32 $0xD0000000, s2;
	s6 =	simm.s32 $0x108;
	_ =	swait.ge @!p0 [sflag:s8], $0x0  }
0x24: {  	s3 =	sadd.s32 $0x88, s3;
	s6 =	simm.s32 @!p1 $0x1082;
	[sflag:s4] =	ssyncset.s32 $0xFFFFF086  }
0x25: {  	[simem:s6], [sflag:s4] =	dma.local [hbm:s3], $0xF7A  }
0x26: {  	[smem:$0x3F9F] =	sst s1;
	(tag) =	ssettag s2;
	_ =	strace s9  }
0x27: {  	s1 =	sld [smem:$0x3FAF]  }
0x28: {  	s2 =	sld [smem:$0x3FB0]  }
0x29: {  	s4 =	sld [smem:$0x3FB2]  }
0x2a: {  	p0 =	seq.s32 s5, $0x0;
	s5 =	sld [smem:$0x3FB3]  }
0x2b: {  	s6 =	sld [smem:$0x3FB4]  }
0x2c: {  	s7 =	sld [smem:$0x3FB5]  }
0x2d: {  	s3 =	simm.s32 $0x108;
	s8 =	sld [smem:$0x3FB6]  }
0x2e: {  	s3 =	simm.s32 @!p0 $0x1082;
	s9 =	sld [smem:$0x3FB7]  }
0x2f: {  	lr =	sadd.s32 s0, s3;
	s0 =	sld [smem:$0x3FAE]  }
0x30: {  	s3 =	sld [smem:$0x3FB1]  }
0x31: {  	[smem:$0x3FBA] =	sst s10  }
0x32: {  	s10 =	sld [smem:$0x3FB8];
	_ =	sdelay $0x3  }
0x33: {  	p0 =	seq.s32 s10, $0x1;
	s10 =	sld [smem:$0x3FBA];
	_ =	sdelay $0x3  }
0x34: {  	[smem:$0x3FBA] =	sst s10  }
0x35: {  	s10 =	sld [smem:$0x3FB9];
	_ =	sdelay $0x3  }
0x36: {  	p1 =	seq.s32 s10, $0x1;
	s10 =	sld [smem:$0x3FBA];
	_ =	sdelay $0x3  }
0x37: {  	[smem:$0x3FBA] =	sst s10  }
0x38: {  	s10 =	sld [smem:$0x3FBB]  }
0x39: {  	_ = 	snop;
	(pc) =	sbr.ind lr, $3  }
0x3a: {  	_ = 	snop  }
0x3b: {  	_ = 	snop  }
0x3c: {  	p2 =	seq.s32 s10, $0x1;
	s10 =	sld [smem:$0x3FBA]  }
0x3d: {  	_ =	shalt  }
0x3e: {  	_ =	shalt  }
0x3f: {  	_ =	shalt  }
0x40: {  	_ =	shalt  }
0x41: {  	_ =	shalt  }
0x42: {  	_ =	shalt  }
0x43: {  	_ =	shalt  }
0x44: {  	_ =	shalt  }
0x45: {  	_ =	shalt  }
0x46: {  	_ =	shalt  }
0x47: {  	_ =	shalt  }
0x48: {  	_ =	shalt  }
0x49: {  	_ =	shalt  }
0x4a: {  	_ =	shalt  }
0x4b: {  	_ =	shalt  }
0x4c: {  	_ =	shalt  }
0x4d: {  	_ =	shalt  }
0x4e: {  	_ =	shalt  }
0x4f: {  	_ =	shalt  }
0x50: {  	_ =	shalt  }
0x51: {  	_ =	shalt  }
0x52: {  	_ =	shalt  }
0x53: {  	_ =	shalt  }
0x54: {  	_ =	shalt  }
0x55: {  	_ =	shalt  }
0x56: {  	_ =	shalt  }
0x57: {  	_ =	shalt  }
0x58: {  	_ =	shalt  }
0x59: {  	_ =	shalt  }
0x5a: {  	_ =	shalt  }
0x5b: {  	_ =	shalt  }
0x5c: {  	_ =	shalt  }
0x5d: {  	_ =	shalt  }
0x5e: {  	_ =	shalt  }
0x5f: {  	_ =	shalt  }
0x60: {  	_ =	shalt  }
0x61: {  	_ =	shalt  }
0x62: {  	_ =	shalt  }
0x63: {  	_ =	shalt  }
0x64: {  	_ =	shalt  }
0x65: {  	_ =	shalt  }
0x66: {  	_ =	shalt  }
0x67: {  	_ =	shalt  }
0x68: {  	_ =	shalt  }
0x69: {  	_ =	shalt  }
0x6a: {  	_ =	shalt  }
0x6b: {  	_ =	shalt  }
0x6c: {  	_ =	shalt  }
0x6d: {  	_ =	shalt  }
0x6e: {  	_ =	shalt  }
0x6f: {  	_ =	shalt  }
0x70: {  	_ =	shalt  }
0x71: {  	_ =	shalt  }
0x72: {  	_ =	shalt  }
0x73: {  	_ =	shalt  }
0x74: {  	_ =	shalt  }
0x75: {  	_ =	shalt  }
0x76: {  	_ =	shalt  }
0x77: {  	_ =	shalt  }
0x78: {  	_ =	shalt  }
0x79: {  	_ =	shalt  }
0x7a: {  	_ =	shalt  }
0x7b: {  	_ =	shalt  }
0x7c: {  	_ =	shalt  }
0x7d: {  	_ =	shalt  }
0x7e: {  	_ =	shalt  }
0x7f: {  	_ =	shalt  }
0x80: {  	_ =	shalt  }
0x81: {  	_ =	shalt  }
0x82: {  	_ =	shalt  }
0x83: {  	_ =	shalt  }
0x84: {  	_ =	shalt  }
0x85: {  	_ =	shalt  }
0x86: {  	_ =	shalt  }
0x87: {  	_ =	shalt  }
.Lfunc_end0:
.L_simem_size_0:
called_computation_lowered:
.L_overlay_start_0:
0x88: {  	s2 =	sld [smem:$0x3FD9]  }
0x89: {  	s3 =	sld [smem:$0x3FFE];
	_ =	sdelay $0x1  }
0x8a: {  	s1 =	srdreg.scid  }
0x8b: {  	s0 =	sand.u32 $0x1, s1  }
0x8c: {  	s18 =	sshll.u32 s0, $0xA;
	s2 =	sadd.s32 s3, s2  }
0x8d: {  	s2 =	sadd.s32 s2, s18  }
0x8e: {  	[smem:$0x3FC6] =	sst s2  }
0x8f: {  	_ = 	snop  }
0x90: {  	s2 =	sld [smem:$0x3FC9]  }
0x91: {  	s19 =	sld [smem:$0x3FC8]  }
0x92: {  	s4 =	sld [smem:$0x3FD0];
	(tm) =	ssettm $0x1  }
0x93: {  	s5 =	sld [smem:$0x3FFB];
	_ =	sdelay $0x3  }
0x94: {  	_ =	strace s5  }
0x95: {  	s5 =	sld [smem:$0x3FFC];
	_ =	sdelay $0x3  }
0x96: {  	_ =	strace s5  }
0x97: {  	s5 =	sld [smem:$0x3FFD];
	_ =	sdelay $0x3  }
0x98: {  	_ =	strace s5  }
0x99: {  	_ =	strace $0x8FFFFFFF  }
0x9a: {  	s20 =	sld [smem:$0x3FDB];
	_ =	sdelay $0x1  }
0x9b: {  	s6 =	simm.s32 $_scs_section_size  }
0x9c: {  	s7 =	simm.s32 $_size__tile_overlayer_lowered;
	s8 =	simm.s32 $_tile_overlayer_lowered  }
0x9d: {  	s23 =	simm.s32 $0x1BFF;
	s22 =	sshll.u32 s8, $0x1;
	s5 =	sadd.s32 s6, s20  }
0x9e: {  	s9 =	simm.s32 $0x0;
	s21 =	sshll.u32 s7, $0x1;
	s7 =	sadd.s32 s22, s5  }
0x9f: {  	[timem:s9], [sflag:s23] =	dma.local [hbm:s7], s21  }
0xa0: {  	_ =	swait.ge [sflag:s23], s21  }
0xa1: {  	s6 =	ssub.s32 $0x0, s21;
	[sflag:s23] =	ssyncset.done $0x0  }
0xa2: {  	[sflag:s23] =	ssyncadd.s32 s6;
	_ =	sdelay $0x1  }
0xa3: {  	s24 =	simm.s32 $0x1B8B  }
0xa4: {  	_ =	swait.ge [sflag:s24], $0x1  }
0xa5: {  	[sflag:s24] =	ssyncset.done $0x0  }
0xa6: {  	s25 =	simm.s32 $0x1B8E;
	[sflag:s24] =	ssyncadd.s32 $0xFFFFFFFF  }
0xa7: {  	s26 =	simm.s32 $execute0_lowered;
	[smem:$0x3FD2] =	sst s25  }
0xa8: {  	s6 =	sshll.u32 s26, $0x1;
	_ =	strace $0x80000046;
	[dreg:$0x1] =	wrdreg $0xFFFFFFFF  }
0xa9: {  	s28 =	simm.s32 $_size_execute0_lowered;
	s5 =	sadd.s32 s5, s6;
	[dreg:$0x0] =	wrdreg $0x0  }
0xaa: {  	s6 =	sshll.u32 s28, $0x1;
	[dreg:$0x2] =	wrdreg s5  }
0xab: {  	[dreg:$0x3] =	wrdreg s6  }
0xac: {  	[dreg:$0x4] =	wrdreg $0xC0  }
0xad: {  	_ =	task [dreg:s9], $0x5FFFF  }
0xae: {  	[dreg:$0x1] =	wrdreg $0xFFFFFFFF  }
0xaf: {  	[dreg:$0x0] =	wrdreg $0x60  }
0xb0: {  	[dreg:$0x2] =	wrdreg s2  }
0xb1: {  	[dreg:$0x3] =	wrdreg s19  }
0xb2: {  	[dreg:$0x4] =	wrdreg s4  }
0xb3: {  	[dreg:$0x5] =	wrdreg $0x9  }
0xb4: {  	_ =	task.clear_ibuf [dreg:s9], $0x6FFFF;
	_ =	strace $0x90000046  }
0xb5: {  	s29 =	simm.s32 $0x9;
	_ =	strace $0x80000048  }
0xb6: {  	_ =	swait.ge [sflag:s29], $0x1  }
0xb7: {  	[sflag:s29] =	ssyncadd.s32 $0xFFFFFFFF  }
0xb8: {  	_ =	strace $0x90000048  }
0xb9: {  	_ =	sfence  }
0xba: {  	s30 =	sld [smem:$0x0];
	_ =	sdelay $0x2  }
0xbb: {  	s31 =	sshll.u32 s1, $0xD;
	s1 =	sshrl.u32 s1, $0x2  }
0xbc: {  	s3 =	sand.u32 $0x4000, s31;
	s1 =	sadd.s32 s1, s30  }
0xbd: {  	s0 =	sor.u32 s3, s0;
	s1 =	sshll.u32 s1, $0x11  }
0xbe: {  	s0 =	sor.u32 s1, s0  }
0xbf: {  	s0 =	sadd.s32 $0x8F2B, s0  }
0xc0: {  	[sflag:s0] =	ssyncadd.remote.s32 $0x1  }
0xc1: {  	_ =	sfence.sel $0xFFFF  }
0xc2: {  	[dreg:$0x0] =	wrdreg $0xFFFFFFFF;
	(pc) =	sbr.abs _section_cstart, $3  }
0xc3: {  	[dreg:$0x1] =	wrdreg $0xFFFFFFFF  }
0xc4: {  	_ =	task.clear_ibuf [dreg:s9], $0x2FFFF;
	_ =	strace $0x9FFFFFFF  }
0xc5: {  	(tm) =	ssettm $0x7FFFFFFF  }
tec
execute0_lowered:
.L_overlay_start_1:
0x0: {  	(tag) =	ssettag $0x1  }
0x1: {  	s0 =	srdreg.scid  }
0x2: {  	s0 =	sand.u32 $0x1, s0  }
0x3: {  	s4 =	stileid.u32;
	s2 =	ssub.s32 $0x2, s0;
	s0 =	sshll.u32 s0, $0x4  }
0x4: {  	s1 =	rddreg [dreg:$0x0];
	s0 =	sor.u32 s4, s0;
	s4 =	sshll.u32 s4, $0x4  }
0x5: {  	s3 =	sshrl.u32 s2, $0x1;
	s6 =	sshll.u32 s0, $0x5;
	s7 =	sand.u32 $0x70, s4  }
0x6: {  	s2 =	ssub.s32 s2, s3;
	s8 =	sand.u32 $0x300, s6;
	s1 =	sadd.s32 s1, s7  }
0x7: {  	[dreg:$0x14] =	wrdreg s2;
	s2 =	sshll.u32 s0, $0x13;
	s1 =	sadd.s32 s8, s1  }
0x8: {  	s9 =	sadd.s32 $0x80000, s2;
	s11 =	sadd.s32 $0x100000, s2;
	s13 =	sadd.s32 $0x180000, s2  }
0x9: {  	s15 =	sadd.s32 $0x200000, s2;
	s17 =	sadd.s32 $0x280000, s2;
	s20 =	sadd.s32 $0x300000, s2  }
0xa: {  	s22 =	sadd.s32 $0x380000, s2;
	s24 =	sadd.s32 $0x400000, s2;
	s26 =	sadd.s32 $0x480000, s2  }
0xb: {  	s5 =	sadd.s32 $0x500000, s2;
	s7 =	sadd.s32 $0x580000, s2;
	[dreg:$0x4] =	wrdreg s1  }
0xc: {  	s1 =	sshll.u32 s0, $0xE;
	s0 =	smul.u32 $0x10800, s0;
	s10 =	sand.u32 $0xF80000, s9  }
0xd: {  	s12 =	sand.u32 $0xF80000, s11;
	s14 =	sand.u32 $0xF80000, s13;
	s16 =	sand.u32 $0xF80000, s15  }
0xe: {  	s18 =	sand.u32 $0xF80000, s17;
	s21 =	sand.u32 $0xF80000, s20;
	s23 =	sand.u32 $0xF80000, s22  }
0xf: {  	s25 =	sand.u32 $0xF80000, s24;
	s4 =	sand.u32 $0xF80000, s26;
	s6 =	sand.u32 $0xF80000, s5  }
0x10: {  	s15 =	sadd.s32 $0x600000, s2;
	s17 =	sadd.s32 $0x680000, s2;
	s20 =	sadd.s32 $0x700000, s2  }
0x11: {  	s22 =	sadd.s32 $0x780000, s2;
	s24 =	sadd.s32 $0x880000, s2;
	s26 =	sadd.s32 $0x900000, s2  }
0x12: {  	s5 =	sadd.s32 $0x980000, s2;
	s19 =	sor.u32 s1, s14;
	s8 =	sor.u32 s1, s18  }
0x13: {  	s9 =	sor.u32 s1, s21;
	s11 =	sor.u32 s1, s25;
	s13 =	sor.u32 s1, s6  }
0x14: {  	s14 =	sand.u32 $0xF80000, s7;
	s18 =	sand.u32 $0xF80000, s17;
	s21 =	sand.u32 $0xF80000, s20  }
0x15: {  	s25 =	sand.u32 $0xF80000, s24;
	s6 =	sand.u32 $0xF80000, s5;
	s7 =	sadd.s32 $0xA00000, s2  }
0x16: {  	s24 =	sadd.s32 $0xA80000, s2;
	s5 =	sadd.s32 $0xB80000, s2;
	[dreg:$0x15] =	wrdreg s0  }
0x17: {  	s0 =	sor.u32 s1, s10;
	s10 =	sor.u32 s1, s23;
	s14 =	sor.u32 s1, s14  }
0x18: {  	s17 =	sor.u32 s1, s21;
	s23 =	sand.u32 $0xF80000, s22;
	s20 =	sor.u32 s1, s25  }
0x19: {  	s22 =	sor.u32 s1, s6;
	s25 =	sand.u32 $0xF80000, s24;
	s6 =	sand.u32 $0xF80000, s5  }
0x1a: {  	s5 =	sadd.s32 $0xC80000, s2;
	s19 =	sshrl.u32 s19, $0x3;
	s8 =	sshrl.u32 s8, $0x3  }
0x1b: {  	s9 =	sshrl.u32 s9, $0x3;
	[dreg:$0x16] =	wrdreg s0;
	s0 =	sor.u32 s1, s12  }
0x1c: {  	s12 =	sor.u32 s1, s4;
	s4 =	sand.u32 $0xF80000, s26;
	s26 =	sadd.s32 $0xB00000, s2  }
0x1d: {  	s24 =	sor.u32 s1, s25;
	s17 =	sshrl.u32 s17, $0x3;
	s20 =	sshrl.u32 s20, $0x3  }
0x1e: {  	[dreg:$0x17] =	wrdreg s0;
	s0 =	sor.u32 s1, s16;
	s16 =	sand.u32 $0xF80000, s15  }
0x1f: {  	s21 =	sor.u32 s1, s4;
	s4 =	sand.u32 $0xF80000, s26;
	s26 =	sor.u32 s1, s6  }
0x20: {  	s6 =	sand.u32 $0xF80000, s5;
	s5 =	sadd.s32 $0xD80000, s2;
	[dreg:$0x18] =	wrdreg s0  }
0x21: {  	s15 =	sor.u32 s1, s16;
	s16 =	sor.u32 s1, s18;
	s18 =	sor.u32 s1, s23  }
0x22: {  	s23 =	sand.u32 $0xF80000, s7;
	s25 =	sor.u32 s1, s4;
	s7 =	sadd.s32 $0xC00000, s2  }
0x23: {  	s29 =	sor.u32 s1, s6;
	s6 =	sand.u32 $0xF80000, s5;
	s5 =	sadd.s32 $0xE80000, s2  }
0x24: {  	s0 =	sor.u32 s1, s2;
	s23 =	sor.u32 s1, s23;
	s4 =	sand.u32 $0xF80000, s7  }
0x25: {  	s7 =	sadd.s32 $0xD00000, s2;
	s31 =	sor.u32 s1, s6;
	s3 =	sand.u32 $0xF80000, s5  }
0x26: {  	s28 =	sor.u32 s1, s4;
	s4 =	sand.u32 $0xF80000, s7;
	s7 =	sadd.s32 $0xE00000, s2  }
0x27: {  	s6 =	sadd.s32 $0xF00000, s2;
	s30 =	sor.u32 s1, s4;
	s4 =	sand.u32 $0xF80000, s7  }
0x28: {  	s2 =	sadd.s32 $0xF80000, s2;
	s7 =	sor.u32 s1, s4;
	s4 =	sand.u32 $0xF80000, s6  }
0x29: {  	s2 =	sand.u32 $0xF80000, s2;
	s5 =	sor.u32 s1, s4;
	s4 =	rddreg [dreg:$0x2]  }
0x2a: {  	s3 =	sor.u32 s1, s3;
	s6 =	sor.u32 s1, s2;
	s1 =	rddreg [dreg:$0x15]  }
0x2b: {  	s22 =	sshrl.u32 s22, $0x3;
	s24 =	sshrl.u32 s24, $0x3;
	s1 =	sadd.s32 s4, s1  }
0x2c: {  	s21 =	sshrl.u32 s21, $0x3;
	s16 =	sshrl.u32 s16, $0x3;
	[dreg:$0x5] =	wrdreg s1  }
0x2d: {  	s0 =	sshrl.u32 s0, $0x3;
	s25 =	sshrl.u32 s25, $0x3;
	s1 =	rddreg [dreg:$0x16]  }
0x2e: {  	s0 =	sxor.u32 $0x100000, s0;
	s2 =	simm.s32 $0x0;
	s1 =	sshrl.u32 s1, $0x3  }
0x2f: {  	s23 =	sshrl.u32 s23, $0x3;
	[smem:$0x7FF] =	sst s2;
	s1 =	sadd.s32 s4, s1  }
0x30: {  	s19 =	sadd.s32 s4, s19;
	s20 =	sadd.s32 s4, s20;
	[dreg:$0x6] =	wrdreg s1  }
0x31: {  	s21 =	sadd.s32 s4, s21;
	s22 =	sadd.s32 s4, s22;
	s1 =	rddreg [dreg:$0x17]  }
0x32: {  	s23 =	sadd.s32 s4, s23;
	[dreg:$0x8] =	wrdreg s19;
	s1 =	sshrl.u32 s1, $0x3  }
0x33: {  	s24 =	sadd.s32 s4, s24;
	s19 =	rddreg [dreg:$0x18];
	s1 =	sadd.s32 s4, s1  }
0x34: {  	[dreg:$0x7] =	wrdreg s1;
	s1 =	sshrl.u32 s19, $0x3;
	s19 =	sadd.s32 s4, s9  }
0x35: {  	s25 =	sadd.s32 s4, s25;
	s1 =	sadd.s32 s4, s1;
	[dreg:$0xb] =	wrdreg s19  }
0x36: {  	s9 =	sshrl.u32 s11, $0x3;
	s19 =	sshrl.u32 s18, $0x3;
	[dreg:$0x9] =	wrdreg s1  }
0x37: {  	s1 =	sadd.s32 s4, s8;
	s8 =	sshrl.u32 s10, $0x3;
	s10 =	sshrl.u32 s12, $0x3  }
0x38: {  	s12 =	sshrl.u32 s13, $0x3;
	s13 =	sshrl.u32 s14, $0x3;
	s14 =	sshrl.u32 s15, $0x3  }
0x39: {  	s18 =	sadd.s32 s4, s19;
	s19 =	sadd.s32 s4, s0;
	[dreg:$0xa] =	wrdreg s1  }
0x3a: {  	s1 =	sadd.s32 s4, s8;
	s11 =	sadd.s32 s4, s10;
	s15 =	sadd.s32 s4, s14  }
0x3b: {  	s8 =	sshrl.u32 s28, $0x3;
	s10 =	sshrl.u32 s30, $0x3;
	[dreg:$0xc] =	wrdreg s1  }
0x3c: {  	s14 =	sshrl.u32 s5, $0x3;
	s1 =	sadd.s32 s4, s9;
	[dreg:$0xe] =	wrdreg s11  }
0x3d: {  	[dreg:$0x11] =	wrdreg s15;
	s9 =	sshrl.u32 s29, $0x3;
	s28 =	sadd.s32 s4, s8  }
0x3e: {  	s30 =	sadd.s32 s4, s10;
	s11 =	sshrl.u32 s31, $0x3;
	s15 =	rddreg [dreg:$0x1]  }
0x3f: {  	s10 =	simm.s32 $0x2;
	[dreg:$0xd] =	wrdreg s1;
	s1 =	sadd.s32 s4, s12  }
0x40: {  	s29 =	sadd.s32 s4, s9;
	s12 =	sshrl.u32 s7, $0x3;
	s31 =	sadd.s32 s4, s11  }
0x41: {  	s7 =	sadd.s32 $0x200, s15;
	s8 =	sadd.s32 $0x300, s15;
	s9 =	simm.s32 $0x100  }
0x42: {  	s11 =	simm.s32 $0x1;
	[dreg:$0xf] =	wrdreg s1;
	s1 =	sadd.s32 s4, s13  }
0x43: {  	s0 =	sadd.s32 s4, s12;
	[dreg:$0x10] =	wrdreg s1;
	s1 =	sadd.s32 s4, s16  }
0x44: {  	s13 =	sshrl.u32 s3, $0x3;
	[dreg:$0x12] =	wrdreg s1;
	s1 =	sadd.s32 s4, s17  }
0x45: {  	s3 =	sadd.s32 s4, s14;
	s12 =	simm.s32 $0x0;
	[dreg:$0x13] =	wrdreg s1  }
0x46: {  	s16 =	sshrl.u32 s6, $0x3;
	s1 =	sshrl.u32 s26, $0x3;
	_ =	strace $0x80000047  }
0x47: {  	s6 =	sadd.s32 $0x100, s15;
	s26 =	sadd.s32 s4, s1;
	s17 =	rddreg [dreg:$0x14]  }
0x48: {  	s1 =	sadd.s32 s4, s13;
	s4 =	sadd.s32 s4, s16;
	s5 =	smax.u32 s17, $0x1  }
.LBB2_1:
0x49: {  	s13 =	rddreg [dreg:$0x1]  }
0x4a: {  	[tilespmem:s9], [sflag:$0x2] =	stream.linear.gather [hbm4b:s13+s2], $0x800, $0x38;
	[tilespmem:$0x4100] =	vst v63  }
0x4b: {  	s14 =	simm.s32 $0x1100  }
0x4c: {  	[tilespmem:s14], [sflag:$0x2] =	stream.linear.gather [hbm4b:s6+s2], $0x800, $0x38;
	[tilespmem:$0x4100] =	vst v63  }
0x4d: {  	s15 =	simm.s32 $0x2100  }
0x4e: {  	[tilespmem:s15], [sflag:$0x2] =	stream.linear.gather [hbm4b:s7+s2], $0x800, $0x38;
	[tilespmem:$0x4100] =	vst v63  }
0x4f: {  	s16 =	simm.s32 $0x3100  }
0x50: {  	[tilespmem:s16], [sflag:$0x2] =	stream.linear.gather [hbm4b:s8+s2], $0x800, $0x38;
	[tilespmem:$0x4100] =	vst v63  }
0x51: {  	_ =	swait.ge [sflag:s10], $0x2000  }
0x52: {  	s14 =	simm.s32 $0x80;
	[sflag:s10] =	ssyncset.done $0x0  }
0x53: {  	s15 =	simm.s32 $0x400;
	s17 =	rddreg [dreg:$0x4];
	[sflag:s10] =	ssyncadd.s32 $0xFFFFE000  }
0x54: {  	[tilespmem:s2], [sflag:$0x2] =	stream.strided.gather [hbm4b:s17+s14], $0x100, s15, s14, $0x38;
	[tilespmem:$0x4100] =	vst v63  }
0x55: {  	_ =	swait.ge [sflag:s10], $0x100  }
0x56: {  	[sflag:s10] =	ssyncset.done $0x0  }
0x57: {  	[sflag:s10] =	ssyncadd.s32 $0xFFFFFF00  }
0x58: {  	v0 =	vld [tilespmem:$0x0]  }
0x59: {  	v1 =	vld [tilespmem:$0x10]  }
0x5a: {  	v2 =	vld [tilespmem:$0x20]  }
0x5b: {  	v3 =	vld [tilespmem:$0x30]  }
0x5c: {  	v4 =	vld [tilespmem:$0x40]  }
0x5d: {  	v5 =	vld [tilespmem:$0x50]  }
0x5e: {  	v6 =	vld [tilespmem:$0x60]  }
0x5f: {  	v7 =	vld [tilespmem:$0x70]  }
0x60: {  	v8 =	vld [tilespmem:$0x80]  }
0x61: {  	v9 =	vld [tilespmem:$0x90]  }
0x62: {  	v15 =	vld [tilespmem:$0xF0]  }
0x63: {  	v10 =	vld [tilespmem:$0xA0]  }
0x64: {  	v11 =	vld [tilespmem:$0xB0]  }
0x65: {  	s16 =	sand.u32 $0x380, s2;
	s15 =	sand.u32 $0x3000, s2;
	v12 =	vld [tilespmem:$0xC0]  }
0x66: {  	s13 =	sor.u32 s16, s15;
	v13 =	vld [tilespmem:$0xD0]  }
0x67: {  	v14 =	vld [tilespmem:$0xE0];
	[tilespmem:s13+$0xD70] =	vst v15  }
0x68: {  	[tilespmem:s13+$0x900] =	vst v0  }
0x69: {  	[tilespmem:s13+$0x910] =	vst v1  }
0x6a: {  	[tilespmem:s13+$0x920] =	vst v2  }
0x6b: {  	[tilespmem:s13+$0x930] =	vst v3  }
0x6c: {  	[tilespmem:s13+$0x940] =	vst v4  }
0x6d: {  	[tilespmem:s13+$0x950] =	vst v5  }
0x6e: {  	[tilespmem:s13+$0x960] =	vst v6  }
0x6f: {  	[tilespmem:s13+$0x970] =	vst v7  }
0x70: {  	[tilespmem:s13+$0xD00] =	vst v8  }
0x71: {  	[tilespmem:s13+$0xD10] =	vst v9  }
0x72: {  	[tilespmem:s13+$0xD20] =	vst v10  }
0x73: {  	[tilespmem:s13+$0xD30] =	vst v11  }
0x74: {  	s17 =	simm.s32 $0x200;
	s14 =	simm.s32 $0x80;
	[tilespmem:s13+$0xD40] =	vst v12  }
0x75: {  	s16 =	sand.u32 $0x3000, s17;
	s17 =	sand.u32 $0x380, s14;
	s15 =	simm.s32 $0x400;
	[tilespmem:s13+$0xD50] =	vst v13  }
.LBB2_2:
0x76: {  	p0 =	sne.s32 s15, $0x3E00;
	[tilespmem:s13+$0xD60] =	vst v14;
	s13 =	sor.u32 s17, s16  }
0x77: {  	[tilespmem:s13+$0xD70] =	vst v15  }
0x78: {  	[tilespmem:s13+$0x900] =	vst v0  }
0x79: {  	[tilespmem:s13+$0x910] =	vst v1  }
0x7a: {  	[tilespmem:s13+$0x920] =	vst v2  }
0x7b: {  	[tilespmem:s13+$0x930] =	vst v3  }
0x7c: {  	[tilespmem:s13+$0x940] =	vst v4  }
0x7d: {  	[tilespmem:s13+$0x950] =	vst v5  }
0x7e: {  	[tilespmem:s13+$0x960] =	vst v6  }
0x7f: {  	[tilespmem:s13+$0x970] =	vst v7  }
0x80: {  	[tilespmem:s13+$0xD00] =	vst v8  }
.Ltmp0:
0x81: {  	[tilespmem:s13+$0xD10] =	vst v9;
	(pc) =	sbr.rel @p0 .LBB2_2-.Ltmp0, $4  }
0x82: {  	[tilespmem:s13+$0xD20] =	vst v10  }
0x83: {  	[tilespmem:s13+$0xD30] =	vst v11  }
0x84: {  	s14 =	sadd.s32 $0x80, s14;
	[tilespmem:s13+$0xD40] =	vst v12  }
0x85: {  	s16 =	sand.u32 $0x3000, s15;
	s15 =	sadd.s32 $0x200, s15;
	s17 =	sand.u32 $0x380, s14;
	[tilespmem:s13+$0xD50] =	vst v13  }
0x86: {  	s14 =	sor.u32 s17, s16;
	[tilespmem:s13+$0xD60] =	vst v14  }
0x87: {  	[tilespmem:s14+$0xD70] =	vst v15  }
0x88: {  	[tilespmem:s14+$0x900] =	vst v0  }
0x89: {  	[tilespmem:s14+$0x910] =	vst v1  }
0x8a: {  	[tilespmem:s14+$0x920] =	vst v2  }
0x8b: {  	[tilespmem:s14+$0x930] =	vst v3  }
0x8c: {  	[tilespmem:s14+$0x940] =	vst v4  }
0x8d: {  	[tilespmem:s14+$0x950] =	vst v5  }
0x8e: {  	[tilespmem:s14+$0x960] =	vst v6  }
0x8f: {  	[tilespmem:s14+$0x970] =	vst v7  }
0x90: {  	[tilespmem:s14+$0xD00] =	vst v8  }
0x91: {  	[tilespmem:s14+$0xD10] =	vst v9  }
0x92: {  	[tilespmem:s14+$0xD20] =	vst v10  }
0x93: {  	[tilespmem:s14+$0xD30] =	vst v11  }
0x94: {  	[tilespmem:s14+$0xD40] =	vst v12  }
0x95: {  	[tilespmem:s14+$0xD50] =	vst v13  }
0x96: {  	s15 =	rddreg [dreg:$0x5];
	[tilespmem:s14+$0xD60] =	vst v14  }
0x97: {  	[hbm4b:s15+s2] =	stream.linear.scatter [tilespmem:s9], [sflag:$0x1], $0x4000, $0x38;
	[tilespmem:$0x4100] =	vst v63  }
0x98: {  	s16 =	rddreg [dreg:$0x6]  }
0x99: {  	[hbm4b:s16+s2] =	stream.linear.scatter [tilespmem:s9], [sflag:$0x1], $0x4000, $0x38;
	[tilespmem:$0x4100] =	vst v63  }
0x9a: {  	s17 =	rddreg [dreg:$0x7]  }
0x9b: {  	[hbm4b:s17+s2] =	stream.linear.scatter [tilespmem:s9], [sflag:$0x1], $0x4000, $0x38;
	[tilespmem:$0x4100] =	vst v63  }
0x9c: {  	s14 =	rddreg [dreg:$0x8]  }
0x9d: {  	[hbm4b:s14+s2] =	stream.linear.scatter [tilespmem:s9], [sflag:$0x1], $0x4000, $0x38;
	[tilespmem:$0x4100] =	vst v63  }
0x9e: {  	s15 =	rddreg [dreg:$0x9]  }
0x9f: {  	[hbm4b:s15+s2] =	stream.linear.scatter [tilespmem:s9], [sflag:$0x1], $0x4000, $0x38;
	[tilespmem:$0x4100] =	vst v63  }
0xa0: {  	s16 =	rddreg [dreg:$0xa]  }
0xa1: {  	[hbm4b:s16+s2] =	stream.linear.scatter [tilespmem:s9], [sflag:$0x1], $0x4000, $0x38;
	[tilespmem:$0x4100] =	vst v63  }
0xa2: {  	s17 =	rddreg [dreg:$0xb]  }
0xa3: {  	[hbm4b:s17+s2] =	stream.linear.scatter [tilespmem:s9], [sflag:$0x1], $0x4000, $0x38;
	[tilespmem:$0x4100] =	vst v63  }
0xa4: {  	s14 =	rddreg [dreg:$0xc]  }
0xa5: {  	[hbm4b:s14+s2] =	stream.linear.scatter [tilespmem:s9], [sflag:$0x1], $0x4000, $0x38;
	[tilespmem:$0x4100] =	vst v63  }
0xa6: {  	s15 =	rddreg [dreg:$0xd]  }
0xa7: {  	[hbm4b:s15+s2] =	stream.linear.scatter [tilespmem:s9], [sflag:$0x1], $0x4000, $0x38;
	[tilespmem:$0x4100] =	vst v63  }
0xa8: {  	s16 =	rddreg [dreg:$0xe]  }
0xa9: {  	[hbm4b:s16+s2] =	stream.linear.scatter [tilespmem:s9], [sflag:$0x1], $0x4000, $0x38;
	[tilespmem:$0x4100] =	vst v63  }
0xaa: {  	s17 =	rddreg [dreg:$0xf]  }
0xab: {  	[hbm4b:s17+s2] =	stream.linear.scatter [tilespmem:s9], [sflag:$0x1], $0x4000, $0x38;
	[tilespmem:$0x4100] =	vst v63  }
0xac: {  	s14 =	rddreg [dreg:$0x10]  }
0xad: {  	[hbm4b:s14+s2] =	stream.linear.scatter [tilespmem:s9], [sflag:$0x1], $0x4000, $0x38;
	[tilespmem:$0x4100] =	vst v63  }
0xae: {  	s15 =	rddreg [dreg:$0x11]  }
0xaf: {  	[hbm4b:s15+s2] =	stream.linear.scatter [tilespmem:s9], [sflag:$0x1], $0x4000, $0x38;
	[tilespmem:$0x4100] =	vst v63  }
0xb0: {  	s16 =	rddreg [dreg:$0x12]  }
0xb1: {  	[hbm4b:s16+s2] =	stream.linear.scatter [tilespmem:s9], [sflag:$0x1], $0x4000, $0x38;
	[tilespmem:$0x4100] =	vst v63  }
0xb2: {  	s17 =	rddreg [dreg:$0x13]  }
0xb3: {  	[hbm4b:s17+s2] =	stream.linear.scatter [tilespmem:s9], [sflag:$0x1], $0x4000, $0x38;
	[tilespmem:$0x4100] =	vst v63  }
0xb4: {  	_ = 	snop  }
0xb5: {  	[hbm4b:s18+s2] =	stream.linear.scatter [tilespmem:s9], [sflag:$0x1], $0x4000, $0x38;
	[tilespmem:$0x4100] =	vst v63  }
0xb6: {  	_ = 	snop  }
0xb7: {  	[hbm4b:s19+s2] =	stream.linear.scatter [tilespmem:s9], [sflag:$0x1], $0x4000, $0x38;
	[tilespmem:$0x4100] =	vst v63  }
0xb8: {  	_ = 	snop  }
0xb9: {  	[hbm4b:s20+s2] =	stream.linear.scatter [tilespmem:s9], [sflag:$0x1], $0x4000, $0x38;
	[tilespmem:$0x4100] =	vst v63  }
0xba: {  	_ = 	snop  }
0xbb: {  	[hbm4b:s21+s2] =	stream.linear.scatter [tilespmem:s9], [sflag:$0x1], $0x4000, $0x38;
	[tilespmem:$0x4100] =	vst v63  }
0xbc: {  	_ = 	snop  }
0xbd: {  	[hbm4b:s22+s2] =	stream.linear.scatter [tilespmem:s9], [sflag:$0x1], $0x4000, $0x38;
	[tilespmem:$0x4100] =	vst v63  }
0xbe: {  	_ = 	snop  }
0xbf: {  	[hbm4b:s23+s2] =	stream.linear.scatter [tilespmem:s9], [sflag:$0x1], $0x4000, $0x38;
	[tilespmem:$0x4100] =	vst v63  }
0xc0: {  	_ = 	snop  }
0xc1: {  	[hbm4b:s24+s2] =	stream.linear.scatter [tilespmem:s9], [sflag:$0x1], $0x4000, $0x38;
	[tilespmem:$0x4100] =	vst v63  }
0xc2: {  	_ = 	snop  }
0xc3: {  	[hbm4b:s25+s2] =	stream.linear.scatter [tilespmem:s9], [sflag:$0x1], $0x4000, $0x38;
	[tilespmem:$0x4100] =	vst v63  }
0xc4: {  	_ = 	snop  }
0xc5: {  	[hbm4b:s26+s2] =	stream.linear.scatter [tilespmem:s9], [sflag:$0x1], $0x4000, $0x38;
	[tilespmem:$0x4100] =	vst v63  }
0xc6: {  	_ = 	snop  }
0xc7: {  	[hbm4b:s28+s2] =	stream.linear.scatter [tilespmem:s9], [sflag:$0x1], $0x4000, $0x38;
	[tilespmem:$0x4100] =	vst v63  }
0xc8: {  	_ = 	snop  }
0xc9: {  	[hbm4b:s29+s2] =	stream.linear.scatter [tilespmem:s9], [sflag:$0x1], $0x4000, $0x38;
	[tilespmem:$0x4100] =	vst v63  }
0xca: {  	_ = 	snop  }
0xcb: {  	[hbm4b:s30+s2] =	stream.linear.scatter [tilespmem:s9], [sflag:$0x1], $0x4000, $0x38;
	[tilespmem:$0x4100] =	vst v63  }
0xcc: {  	_ = 	snop  }
0xcd: {  	[hbm4b:s31+s2] =	stream.linear.scatter [tilespmem:s9], [sflag:$0x1], $0x4000, $0x38;
	[tilespmem:$0x4100] =	vst v63  }
0xce: {  	_ = 	snop  }
0xcf: {  	[hbm4b:s0+s2] =	stream.linear.scatter [tilespmem:s9], [sflag:$0x1], $0x4000, $0x38;
	[tilespmem:$0x4100] =	vst v63  }
0xd0: {  	_ = 	snop  }
0xd1: {  	[hbm4b:s1+s2] =	stream.linear.scatter [tilespmem:s9], [sflag:$0x1], $0x4000, $0x38;
	[tilespmem:$0x4100] =	vst v63  }
0xd2: {  	_ = 	snop  }
0xd3: {  	[hbm4b:s3+s2] =	stream.linear.scatter [tilespmem:s9], [sflag:$0x1], $0x4000, $0x38;
	[tilespmem:$0x4100] =	vst v63  }
0xd4: {  	_ = 	snop  }
0xd5: {  	[hbm4b:s4+s2] =	stream.linear.scatter [tilespmem:s9], [sflag:$0x1], $0x4000, $0x38;
	[tilespmem:$0x4100] =	vst v63  }
0xd6: {  	_ =	swait.ge [sflag:s11], $0x4000  }
0xd7: {  	[sflag:s11] =	ssyncset.done $0x0  }
0xd8: {  	[sflag:s11] =	ssyncadd.s32 $0xFFFFC000  }
0xd9: {  	_ =	swait.ge [sflag:s11], $0x4000  }
0xda: {  	[sflag:s11] =	ssyncset.done $0x0  }
0xdb: {  	[sflag:s11] =	ssyncadd.s32 $0xFFFFC000  }
0xdc: {  	_ =	swait.ge [sflag:s11], $0x4000  }
0xdd: {  	[sflag:s11] =	ssyncset.done $0x0  }
0xde: {  	[sflag:s11] =	ssyncadd.s32 $0xFFFFC000  }
0xdf: {  	_ =	swait.ge [sflag:s11], $0x4000  }
0xe0: {  	[sflag:s11] =	ssyncset.done $0x0  }
0xe1: {  	[sflag:s11] =	ssyncadd.s32 $0xFFFFC000  }
0xe2: {  	_ =	swait.ge [sflag:s11], $0x4000  }
0xe3: {  	[sflag:s11] =	ssyncset.done $0x0  }
0xe4: {  	[sflag:s11] =	ssyncadd.s32 $0xFFFFC000  }
0xe5: {  	_ =	swait.ge [sflag:s11], $0x4000  }
0xe6: {  	[sflag:s11] =	ssyncset.done $0x0  }
0xe7: {  	[sflag:s11] =	ssyncadd.s32 $0xFFFFC000  }
0xe8: {  	_ =	swait.ge [sflag:s11], $0x4000  }
0xe9: {  	[sflag:s11] =	ssyncset.done $0x0  }
0xea: {  	[sflag:s11] =	ssyncadd.s32 $0xFFFFC000  }
0xeb: {  	_ =	swait.ge [sflag:s11], $0x4000  }
0xec: {  	[sflag:s11] =	ssyncset.done $0x0  }
0xed: {  	[sflag:s11] =	ssyncadd.s32 $0xFFFFC000  }
0xee: {  	_ =	swait.ge [sflag:s11], $0x4000  }
0xef: {  	[sflag:s11] =	ssyncset.done $0x0  }
0xf0: {  	[sflag:s11] =	ssyncadd.s32 $0xFFFFC000  }
0xf1: {  	_ =	swait.ge [sflag:s11], $0x4000  }
0xf2: {  	[sflag:s11] =	ssyncset.done $0x0  }
0xf3: {  	[sflag:s11] =	ssyncadd.s32 $0xFFFFC000  }
0xf4: {  	_ =	swait.ge [sflag:s11], $0x4000  }
0xf5: {  	[sflag:s11] =	ssyncset.done $0x0  }
0xf6: {  	[sflag:s11] =	ssyncadd.s32 $0xFFFFC000  }
0xf7: {  	_ =	swait.ge [sflag:s11], $0x4000  }
0xf8: {  	[sflag:s11] =	ssyncset.done $0x0  }
0xf9: {  	[sflag:s11] =	ssyncadd.s32 $0xFFFFC000  }
0xfa: {  	_ =	swait.ge [sflag:s11], $0x4000  }
0xfb: {  	[sflag:s11] =	ssyncset.done $0x0  }
0xfc: {  	[sflag:s11] =	ssyncadd.s32 $0xFFFFC000  }
0xfd: {  	_ =	swait.ge [sflag:s11], $0x4000  }
0xfe: {  	[sflag:s11] =	ssyncset.done $0x0  }
0xff: {  	[sflag:s11] =	ssyncadd.s32 $0xFFFFC000  }
0x100: {  	_ =	swait.ge [sflag:s11], $0x4000  }
0x101: {  	[sflag:s11] =	ssyncset.done $0x0  }
0x102: {  	[sflag:s11] =	ssyncadd.s32 $0xFFFFC000  }
0x103: {  	_ =	swait.ge [sflag:s11], $0x4000  }
0x104: {  	[sflag:s11] =	ssyncset.done $0x0  }
0x105: {  	[sflag:s11] =	ssyncadd.s32 $0xFFFFC000  }
0x106: {  	_ =	swait.ge [sflag:s11], $0x4000  }
0x107: {  	[sflag:s11] =	ssyncset.done $0x0  }
0x108: {  	[sflag:s11] =	ssyncadd.s32 $0xFFFFC000  }
0x109: {  	_ =	swait.ge [sflag:s11], $0x4000  }
0x10a: {  	[sflag:s11] =	ssyncset.done $0x0  }
0x10b: {  	[sflag:s11] =	ssyncadd.s32 $0xFFFFC000  }
0x10c: {  	_ =	swait.ge [sflag:s11], $0x4000  }
0x10d: {  	[sflag:s11] =	ssyncset.done $0x0  }
0x10e: {  	[sflag:s11] =	ssyncadd.s32 $0xFFFFC000  }
0x10f: {  	_ =	swait.ge [sflag:s11], $0x4000  }
0x110: {  	[sflag:s11] =	ssyncset.done $0x0  }
0x111: {  	[sflag:s11] =	ssyncadd.s32 $0xFFFFC000  }
0x112: {  	_ =	swait.ge [sflag:s11], $0x4000  }
0x113: {  	[sflag:s11] =	ssyncset.done $0x0  }
0x114: {  	[sflag:s11] =	ssyncadd.s32 $0xFFFFC000  }
0x115: {  	_ =	swait.ge [sflag:s11], $0x4000  }
0x116: {  	[sflag:s11] =	ssyncset.done $0x0  }
0x117: {  	[sflag:s11] =	ssyncadd.s32 $0xFFFFC000  }
0x118: {  	_ =	swait.ge [sflag:s11], $0x4000  }
0x119: {  	[sflag:s11] =	ssyncset.done $0x0  }
0x11a: {  	[sflag:s11] =	ssyncadd.s32 $0xFFFFC000  }
0x11b: {  	_ =	swait.ge [sflag:s11], $0x4000  }
0x11c: {  	[sflag:s11] =	ssyncset.done $0x0  }
0x11d: {  	[sflag:s11] =	ssyncadd.s32 $0xFFFFC000  }
0x11e: {  	_ =	swait.ge [sflag:s11], $0x4000  }
0x11f: {  	[sflag:s11] =	ssyncset.done $0x0  }
0x120: {  	[sflag:s11] =	ssyncadd.s32 $0xFFFFC000  }
0x121: {  	_ =	swait.ge [sflag:s11], $0x4000  }
0x122: {  	[sflag:s11] =	ssyncset.done $0x0  }
0x123: {  	[sflag:s11] =	ssyncadd.s32 $0xFFFFC000  }
0x124: {  	_ =	swait.ge [sflag:s11], $0x4000  }
0x125: {  	[sflag:s11] =	ssyncset.done $0x0  }
0x126: {  	[sflag:s11] =	ssyncadd.s32 $0xFFFFC000  }
0x127: {  	_ =	swait.ge [sflag:s11], $0x4000  }
0x128: {  	[sflag:s11] =	ssyncset.done $0x0  }
0x129: {  	[sflag:s11] =	ssyncadd.s32 $0xFFFFC000  }
0x12a: {  	_ =	swait.ge [sflag:s11], $0x4000  }
0x12b: {  	[sflag:s11] =	ssyncset.done $0x0  }
0x12c: {  	[sflag:s11] =	ssyncadd.s32 $0xFFFFC000  }
0x12d: {  	_ =	swait.ge [sflag:s11], $0x4000  }
0x12e: {  	[sflag:s11] =	ssyncset.done $0x0  }
0x12f: {  	s12 =	sadd.s32 $0x1, s12;
	[sflag:s11] =	ssyncadd.s32 $0xFFFFC000  }
0x130: {  	p0 =	sne.s32 s12, s5;
	_ =	swait.ge [sflag:s11], $0x4000  }
.Ltmp1:
0x131: {  	[sflag:s11] =	ssyncset.done $0x0;
	(pc) =	sbr.rel @p0 .LBB2_1-.Ltmp1, $4  }
0x132: {  	[sflag:s11] =	ssyncadd.s32 $0xFFFFC000  }
0x133: {  	_ =	swait.ge [sflag:s11], $0x4000  }
0x134: {  	[sflag:s11] =	ssyncset.done $0x0  }
0x135: {  	[sflag:s11] =	ssyncadd.s32 $0xFFFFC000  }
0x136: {  	_ =	sfence.sel $0x180000  }
0x137: {  	[bflag:$0x0] =	sbarrier.arrive $0xFFFF  }
0x138: {  	_ =	strace $0x90000047  }
0x139: {  	s0 =	stileid.u32;
	[bflag:$0x2] =	sbarrier.arrive $0xFFFF  }
0x13a: {  	p0 =	sne.s32 s0, $0x0;
	s0 =	rddreg [dreg:$0x3]  }
0x13b: {  	s0 =	sadd.s32 @!p0 $0x100000, s0  }
0x13c: {  	[sflag:s0] =	ssyncadd.tile.s32 @!p0 $0x1;
	_ =	shalt  }
.Lfunc_end2:
_tile_overlayer_lowered:
.L_overlay_start_2:
0x13d: {  	(tag) =	ssettag $0x2  }
0x13e: {  	s0 =	rddreg [dreg:$0x0];
	s2 =	stileid.u32  }
0x13f: {  	s1 =	rddreg [dreg:$0x1];
	p0 =	sne.s32 s2, $0x0  }
0x140: {  	s3 =	rddreg [dreg:$0x2];
	[bflag:$0x3] =	sbarrier.arrive $0xFFFF;
	s2 =	simm.s32 @!p0 $0x1C02  }
0x141: {  	[timem:s3], [sflag:s2] =	dma.local @!p0 [hbm:s0], s1  }
0x142: {  	s0 =	simm.s32 @!p0 $0x2  }
0x143: {  	_ =	swait.ge @!p0 [sflag:s0], s1  }
0x144: {  	s1 =	ssub.s32 @!p0 $0x0, s1;
	[sflag:s0] =	ssyncset.done @!p0 $0x0  }
0x145: {  	[sflag:s0] =	ssyncadd.s32 @!p0 s1  }
0x146: {  	[bflag:$0x3] =	sbarrier.arrive $0xFFFF  }
0x147: {  	_ =	shalt  }

</sc_bundles>
